<compile_context>
chip_gen: v7x
topology: tpu7x:2x2x1
jax: 0.10.2.dev20260603
libtpu: 0.0.44.dev20260713+nightly
codegen_flags: <defaults>
</compile_context>

<pallas_src>
import functools

import jax
import jax.numpy as jnp
from jax import lax
from jax.experimental import pallas as pl
from jax.experimental.pallas import tpu as pltpu
from jax.experimental.pallas import tpu_sc as plsc

NBUF = 4
PADW = 128
CB = 4


def _emb_lookup(idx, tpad, B0, S, D):
    B = idx.shape[0]
    NW = 32
    per_w = B // NW
    bpw = B0 // NW
    n_chunks = bpw // CB
    assert bpw % CB == 0 and n_chunks % NBUF == 0 and n_chunks // NBUF >= 2
    assert (CB * S) % 8 == 0

    mesh = plsc.VectorSubcoreMesh(core_axis_name="c", subcore_axis_name="s")

    SP = (S + 7) // 8 * 8

    @functools.partial(
        pl.kernel,
        out_type=jax.ShapeDtypeStruct((B0, SP, PADW), jnp.float32),
        mesh=mesh,
        compiler_params=pltpu.CompilerParams(use_tc_tiling_on_sc=False),
        scratch_types=[
            pltpu.VMEM((per_w,), jnp.int32),
            [pltpu.VMEM((CB * S, PADW), jnp.float32) for _ in range(NBUF)],
            [pltpu.SemaphoreType.DMA for _ in range(NBUF)],
        ],
    )
    def emb(idx_hbm, tpad_hbm, out_hbm, idx_v, bufs, sems):
        wid = lax.axis_index("s") * 2 + lax.axis_index("c")
        base = wid * bpw
        pltpu.sync_copy(idx_hbm.at[pl.ds(base * S, per_w)], idx_v)

        def gather(j, b):
            pltpu.async_copy(
                tpad_hbm.at[idx_v.at[pl.ds(j * (CB * S), CB * S)]], bufs[b], sems[b]
            )

        def wait_gather(b):
            pltpu.make_async_copy(
                tpad_hbm.at[pl.ds(0, CB * S)], bufs[b], sems[b]
            ).wait()

        def store(j, b):
            for t in range(CB):
                pltpu.sync_copy(
                    bufs[b].at[pl.ds(t * S, S), pl.ds(0, D)],
                    out_hbm.at[base + j * CB + t, pl.ds(0, S), pl.ds(0, D)],
                )

        for b in range(NBUF):
            gather(b, b)

        def outer(k, carry):
            j0 = k * NBUF
            for b in range(NBUF):
                j = j0 + b
                wait_gather(b)
                store(j, b)
                gather(j + NBUF, b)
            return carry

        lax.fori_loop(0, n_chunks // NBUF - 1, outer, 0, unroll=False)

        for b in range(NBUF):
            j = n_chunks - NBUF + b
            wait_gather(b)
            store(j, b)

    return emb(idx, tpad)


def kernel(x, table):
    B0, S = x.shape
    V, D = table.shape
    idx = x.reshape(-1).astype(jnp.int32)
    tpad = jnp.pad(table, ((0, 0), (0, PADW - D)))
    opad = _emb_lookup(idx, tpad, B0, S, D)
    return opad[:, :S, :D]

# --- scband reference (transcript-rebuilt; emitter-appended) ---
"""Pipeline reference for scband-embedding-24936580120801 (READ-ONLY COPY).

The authoritative reference and input builder live on the scoring server;
editing this copy changes nothing except your own understanding.
"""

import jax, jax.numpy as jnp
import numpy as np


def setup_inputs(seed: int = 0) -> dict:
    key = jax.random.key(seed)
    k1, k2 = jax.random.split(key)
    x = jax.random.randint(k1, (16384, 50), 0, 1000000)
    table = jax.random.normal(k2, (1000000, 64), dtype=jnp.float32)
    # padding_idx=1: that row is initialized to zeros in torch nn.Embedding
    table = table.at[1].set(0.0)
    return {"x": x, "table": table}


def reference(x, table):
    # nn.Embedding forward with padding_idx=1: plain row gather.
    # Row 1 of the table is the (zero) padding vector; enforce it so the
    # lookup matches torch semantics even if the table is perturbed.
    t = table.at[1].set(0.0)
    return jnp.take(t, x, axis=0)

if __name__ == "__main__":
    import jax
    _d = setup_inputs()
    print(jax.jit(kernel)(*tuple(_d.values())))

</pallas_src>

<mosaic_0001>
#map = affine_map<(d0, d1) -> (0)>
#map1 = affine_map<(d0, d1) -> (0, 0)>
#map2 = affine_map<(d0, d1) -> (0, 0, 0)>
module attributes {stable_mosaic.version = 14 : i64} {
  func.func @emb(%arg0: i32, %arg1: i32, %arg2: memref<819200xi32, #tpu.memory_space<hbm>>, %arg3: memref<1000000x128xf32, #tpu.memory_space<hbm>>, %arg4: memref<16384x56x128xf32, #tpu.memory_space<hbm>>, %arg5: memref<25600xi32, #tpu.memory_space<vmem>>, %arg6: memref<200x128xf32, #tpu.memory_space<vmem>>, %arg7: memref<200x128xf32, #tpu.memory_space<vmem>>, %arg8: memref<200x128xf32, #tpu.memory_space<vmem>>, %arg9: memref<200x128xf32, #tpu.memory_space<vmem>>, %arg10: memref<!tpu.dma_semaphore, #tpu.memory_space<semaphore_mem>>, %arg11: memref<!tpu.dma_semaphore, #tpu.memory_space<semaphore_mem>>, %arg12: memref<!tpu.dma_semaphore, #tpu.memory_space<semaphore_mem>>, %arg13: memref<!tpu.dma_semaphore, #tpu.memory_space<semaphore_mem>>) attributes {dimension_semantics = [#tpu.dimension_semantics<core_parallel>, #tpu.dimension_semantics<subcore_parallel>], iteration_bounds = array<i64: 2, 16>, scalar_prefetch = 0 : i64, scratch_operands = 9 : i64, tpu.core_type = #tpu.core_type<sc_vector_subcore>, window_params = [{transform_indices = #map}, {transform_indices = #map1}, {transform_indices = #map2}]} {
    %mul3A = arith.constant 2 : i32
    %mul3A_0 = arith.muli %arg1, %mul3A : i32
    %add3A = arith.addi %mul3A_0, %arg0 : i32
    %mul3A_1 = arith.constant 512 : i32
    %mul3A_2 = arith.muli %add3A, %mul3A_1 : i32
    %mul3A_3 = arith.constant 50 : i32
    %mul3A_4 = arith.muli %mul3A_2, %mul3A_3 : i32
    "tpu.region"() ({
      %run_scoped3A = tpu.sem_alloc : memref<!tpu.dma_semaphore, #tpu.memory_space<semaphore_mem>>
      %dma_start3A_116 = tpu.memref_slice %arg2[%mul3A_4] : memref<819200xi32, #tpu.memory_space<hbm>> -> memref<25600xi32, #tpu.memory_space<hbm>>
      %dma_start3A_117 = tpu.memref_slice %arg2[%mul3A_4] : memref<819200xi32, #tpu.memory_space<hbm>> -> memref<25600xi32, #tpu.memory_space<hbm>>
      tpu.enqueue_dma source(%dma_start3A_117 : memref<25600xi32, #tpu.memory_space<hbm>>) target(%arg5 : memref<25600xi32, #tpu.memory_space<vmem>>) target_semaphore(%run_scoped3A : memref<!tpu.dma_semaphore, #tpu.memory_space<semaphore_mem>>)
      %dma_wait3A_118 = tpu.memref_slice %arg2[%mul3A_4] : memref<819200xi32, #tpu.memory_space<hbm>> -> memref<25600xi32, #tpu.memory_space<hbm>>
      %dma_wait3A_119 = tpu.memref_slice %arg2[%mul3A_4] : memref<819200xi32, #tpu.memory_space<hbm>> -> memref<25600xi32, #tpu.memory_space<hbm>>
      tpu.wait_dma2 semaphore(%run_scoped3A : memref<!tpu.dma_semaphore, #tpu.memory_space<semaphore_mem>>) src(%dma_wait3A_119 : memref<25600xi32, #tpu.memory_space<hbm>>) dst(%arg5 : memref<25600xi32, #tpu.memory_space<vmem>>)
      tpu.yield
    }) : () -> ()
    %dma_start3A = arith.constant 0 : i32
    %dma_start3A_5 = tpu.memref_slice %arg5[%dma_start3A] : memref<25600xi32, #tpu.memory_space<vmem>> -> memref<200xi32, #tpu.memory_space<vmem>>
    %dma_start3A_6 = arith.constant 0 : i32
    %dma_start3A_7 = arith.constant 0 : i32
    %dma_start3A_8 = tpu.memref_slice %arg3[%dma_start3A_6, %dma_start3A_7] : memref<1000000x128xf32, #tpu.memory_space<hbm>> -> memref<1000000x128xf32, #tpu.memory_space<hbm>>
    tpu.enqueue_indirect_dma source(%dma_start3A_8 : memref<1000000x128xf32, #tpu.memory_space<hbm>>) target(%arg6 : memref<200x128xf32, #tpu.memory_space<vmem>>) offsets(%dma_start3A_5 : memref<200xi32, #tpu.memory_space<vmem>>) semaphore(%arg10 : memref<!tpu.dma_semaphore, #tpu.memory_space<semaphore_mem>>)
    %dma_start3A_9 = arith.constant 200 : i32
    %dma_start3A_10 = tpu.memref_slice %arg5[%dma_start3A_9] : memref<25600xi32, #tpu.memory_space<vmem>> -> memref<200xi32, #tpu.memory_space<vmem>>
    %dma_start3A_11 = arith.constant 0 : i32
    %dma_start3A_12 = arith.constant 0 : i32
    %dma_start3A_13 = tpu.memref_slice %arg3[%dma_start3A_11, %dma_start3A_12] : memref<1000000x128xf32, #tpu.memory_space<hbm>> -> memref<1000000x128xf32, #tpu.memory_space<hbm>>
    tpu.enqueue_indirect_dma source(%dma_start3A_13 : memref<1000000x128xf32, #tpu.memory_space<hbm>>) target(%arg7 : memref<200x128xf32, #tpu.memory_space<vmem>>) offsets(%dma_start3A_10 : memref<200xi32, #tpu.memory_space<vmem>>) semaphore(%arg11 : memref<!tpu.dma_semaphore, #tpu.memory_space<semaphore_mem>>)
    %dma_start3A_14 = arith.constant 400 : i32
    %dma_start3A_15 = tpu.memref_slice %arg5[%dma_start3A_14] : memref<25600xi32, #tpu.memory_space<vmem>> -> memref<200xi32, #tpu.memory_space<vmem>>
    %dma_start3A_16 = arith.constant 0 : i32
    %dma_start3A_17 = arith.constant 0 : i32
    %dma_start3A_18 = tpu.memref_slice %arg3[%dma_start3A_16, %dma_start3A_17] : memref<1000000x128xf32, #tpu.memory_space<hbm>> -> memref<1000000x128xf32, #tpu.memory_space<hbm>>
    tpu.enqueue_indirect_dma source(%dma_start3A_18 : memref<1000000x128xf32, #tpu.memory_space<hbm>>) target(%arg8 : memref<200x128xf32, #tpu.memory_space<vmem>>) offsets(%dma_start3A_15 : memref<200xi32, #tpu.memory_space<vmem>>) semaphore(%arg12 : memref<!tpu.dma_semaphore, #tpu.memory_space<semaphore_mem>>)
    %dma_start3A_19 = arith.constant 600 : i32
    %dma_start3A_20 = tpu.memref_slice %arg5[%dma_start3A_19] : memref<25600xi32, #tpu.memory_space<vmem>> -> memref<200xi32, #tpu.memory_space<vmem>>
    %dma_start3A_21 = arith.constant 0 : i32
    %dma_start3A_22 = arith.constant 0 : i32
    %dma_start3A_23 = tpu.memref_slice %arg3[%dma_start3A_21, %dma_start3A_22] : memref<1000000x128xf32, #tpu.memory_space<hbm>> -> memref<1000000x128xf32, #tpu.memory_space<hbm>>
    tpu.enqueue_indirect_dma source(%dma_start3A_23 : memref<1000000x128xf32, #tpu.memory_space<hbm>>) target(%arg9 : memref<200x128xf32, #tpu.memory_space<vmem>>) offsets(%dma_start3A_20 : memref<200xi32, #tpu.memory_space<vmem>>) semaphore(%arg13 : memref<!tpu.dma_semaphore, #tpu.memory_space<semaphore_mem>>)
    %scan3A = arith.constant 0 : i32
    %scan3A_24 = arith.constant 0 : i32
    %scan3A_25 = arith.constant 31 : i32
    %scan3A_26 = arith.addi %scan3A_24, %scan3A_25 : i32
    %scan3A_27 = arith.constant 1 : i32
    scf.for %scan3A_116 = %scan3A_24 to %scan3A_26 step %scan3A_27  : i32 {
      %mul3A_117 = arith.constant 4 : i32
      %mul3A_118 = arith.muli %scan3A_116, %mul3A_117 : i32
      %add3A_119 = arith.constant 0 : i32
      %add3A_120 = arith.addi %mul3A_118, %add3A_119 : i32
      %dma_wait3A_121 = arith.constant 0 : i32
      %dma_wait3A_122 = arith.constant 0 : i32
      %dma_wait3A_123 = tpu.memref_slice %arg3[%dma_wait3A_121, %dma_wait3A_122] : memref<1000000x128xf32, #tpu.memory_space<hbm>> -> memref<200x128xf32, #tpu.memory_space<hbm>>
      %dma_wait3A_124 = arith.constant 0 : i32
      %dma_wait3A_125 = arith.constant 0 : i32
      %dma_wait3A_126 = tpu.memref_slice %arg3[%dma_wait3A_124, %dma_wait3A_125] : memref<1000000x128xf32, #tpu.memory_space<hbm>> -> memref<200x128xf32, #tpu.memory_space<hbm>>
      tpu.wait_dma2 semaphore(%arg10 : memref<!tpu.dma_semaphore, #tpu.memory_space<semaphore_mem>>) src(%dma_wait3A_126 : memref<200x128xf32, #tpu.memory_space<hbm>>) dst(%arg6 : memref<200x128xf32, #tpu.memory_space<vmem>>)
      %mul3A_127 = arith.constant 4 : i32
      %mul3A_128 = arith.muli %add3A_120, %mul3A_127 : i32
      %add3A_129 = arith.addi %mul3A_2, %mul3A_128 : i32
      %add3A_130 = arith.constant 0 : i32
      %add3A_131 = arith.addi %add3A_129, %add3A_130 : i32
      "tpu.region"() ({
        %run_scoped3A = tpu.sem_alloc : memref<!tpu.dma_semaphore, #tpu.memory_space<semaphore_mem>>
        %dma_start3A_263 = arith.constant 0 : i32
        %dma_start3A_264 = arith.constant 0 : i32
        %dma_start3A_265 = tpu.memref_slice %arg6[%dma_start3A_263, %dma_start3A_264] : memref<200x128xf32, #tpu.memory_space<vmem>> -> memref<50x64xf32, #tpu.memory_space<vmem>>
        %dma_start3A_266 = arith.constant 0 : i32
        %dma_start3A_267 = arith.constant 0 : i32
        %dma_start3A_268 = tpu.memref_slice %arg4[%add3A_131, %dma_start3A_266, %dma_start3A_267] : memref<16384x56x128xf32, #tpu.memory_space<hbm>> -> memref<1x50x64xf32, #tpu.memory_space<hbm>>
        %dma_start3A_269 = tpu.memref_squeeze %dma_start3A_268 : memref<1x50x64xf32, #tpu.memory_space<hbm>> -> memref<50x64xf32, #tpu.memory_space<hbm>>
        %dma_start3A_270 = arith.constant 0 : i32
        %dma_start3A_271 = arith.constant 0 : i32
        %dma_start3A_272 = tpu.memref_slice %arg4[%add3A_131, %dma_start3A_270, %dma_start3A_271] : memref<16384x56x128xf32, #tpu.memory_space<hbm>> -> memref<1x50x64xf32, #tpu.memory_space<hbm>>
        %dma_start3A_273 = tpu.memref_squeeze %dma_start3A_272 : memref<1x50x64xf32, #tpu.memory_space<hbm>> -> memref<50x64xf32, #tpu.memory_space<hbm>>
        %dma_start3A_274 = arith.constant 0 : i32
        %dma_start3A_275 = arith.constant 0 : i32
        %dma_start3A_276 = tpu.memref_slice %arg6[%dma_start3A_274, %dma_start3A_275] : memref<200x128xf32, #tpu.memory_space<vmem>> -> memref<50x64xf32, #tpu.memory_space<vmem>>
        tpu.enqueue_dma source(%dma_start3A_276 : memref<50x64xf32, #tpu.memory_space<vmem>>) target(%dma_start3A_273 : memref<50x64xf32, #tpu.memory_space<hbm>>) target_semaphore(%run_scoped3A : memref<!tpu.dma_semaphore, #tpu.memory_space<semaphore_mem>>)
        %dma_wait3A_277 = arith.constant 0 : i32
        %dma_wait3A_278 = arith.constant 0 : i32
        %dma_wait3A_279 = tpu.memref_slice %arg6[%dma_wait3A_277, %dma_wait3A_278] : memref<200x128xf32, #tpu.memory_space<vmem>> -> memref<50x64xf32, #tpu.memory_space<vmem>>
        %dma_wait3A_280 = arith.constant 0 : i32
        %dma_wait3A_281 = arith.constant 0 : i32
        %dma_wait3A_282 = tpu.memref_slice %arg4[%add3A_131, %dma_wait3A_280, %dma_wait3A_281] : memref<16384x56x128xf32, #tpu.memory_space<hbm>> -> memref<1x50x64xf32, #tpu.memory_space<hbm>>
        %dma_wait3A_283 = tpu.memref_squeeze %dma_wait3A_282 : memref<1x50x64xf32, #tpu.memory_space<hbm>> -> memref<50x64xf32, #tpu.memory_space<hbm>>
        %dma_wait3A_284 = arith.constant 0 : i32
        %dma_wait3A_285 = arith.constant 0 : i32
        %dma_wait3A_286 = tpu.memref_slice %arg4[%add3A_131, %dma_wait3A_284, %dma_wait3A_285] : memref<16384x56x128xf32, #tpu.memory_space<hbm>> -> memref<1x50x64xf32, #tpu.memory_space<hbm>>
        %dma_wait3A_287 = tpu.memref_squeeze %dma_wait3A_286 : memref<1x50x64xf32, #tpu.memory_space<hbm>> -> memref<50x64xf32, #tpu.memory_space<hbm>>
        %dma_wait3A_288 = arith.constant 0 : i32
        %dma_wait3A_289 = arith.constant 0 : i32
        %dma_wait3A_290 = tpu.memref_slice %arg6[%dma_wait3A_288, %dma_wait3A_289] : memref<200x128xf32, #tpu.memory_space<vmem>> -> memref<50x64xf32, #tpu.memory_space<vmem>>
        tpu.wait_dma2 semaphore(%run_scoped3A : memref<!tpu.dma_semaphore, #tpu.memory_space<semaphore_mem>>) src(%dma_wait3A_290 : memref<50x64xf32, #tpu.memory_space<vmem>>) dst(%dma_wait3A_287 : memref<50x64xf32, #tpu.memory_space<hbm>>)
        tpu.yield
      }) : () -> ()
      %mul3A_132 = arith.constant 4 : i32
      %mul3A_133 = arith.muli %add3A_120, %mul3A_132 : i32
      %add3A_134 = arith.addi %mul3A_2, %mul3A_133 : i32
      %add3A_135 = arith.constant 1 : i32
      %add3A_136 = arith.addi %add3A_134, %add3A_135 : i32
      "tpu.region"() ({
        %run_scoped3A = tpu.sem_alloc : memref<!tpu.dma_semaphore, #tpu.memory_space<semaphore_mem>>
        %dma_start3A_263 = arith.constant 50 : i32
        %dma_start3A_264 = arith.constant 0 : i32
        %dma_start3A_265 = tpu.memref_slice %arg6[%dma_start3A_263, %dma_start3A_264] : memref<200x128xf32, #tpu.memory_space<vmem>> -> memref<50x64xf32, #tpu.memory_space<vmem>>
        %dma_start3A_266 = arith.constant 0 : i32
        %dma_start3A_267 = arith.constant 0 : i32
        %dma_start3A_268 = tpu.memref_slice %arg4[%add3A_136, %dma_start3A_266, %dma_start3A_267] : memref<16384x56x128xf32, #tpu.memory_space<hbm>> -> memref<1x50x64xf32, #tpu.memory_space<hbm>>
        %dma_start3A_269 = tpu.memref_squeeze %dma_start3A_268 : memref<1x50x64xf32, #tpu.memory_space<hbm>> -> memref<50x64xf32, #tpu.memory_space<hbm>>
        %dma_start3A_270 = arith.constant 0 : i32
        %dma_start3A_271 = arith.constant 0 : i32
        %dma_start3A_272 = tpu.memref_slice %arg4[%add3A_136, %dma_start3A_270, %dma_start3A_271] : memref<16384x56x128xf32, #tpu.memory_space<hbm>> -> memref<1x50x64xf32, #tpu.memory_space<hbm>>
        %dma_start3A_273 = tpu.memref_squeeze %dma_start3A_272 : memref<1x50x64xf32, #tpu.memory_space<hbm>> -> memref<50x64xf32, #tpu.memory_space<hbm>>
        %dma_start3A_274 = arith.constant 50 : i32
        %dma_start3A_275 = arith.constant 0 : i32
        %dma_start3A_276 = tpu.memref_slice %arg6[%dma_start3A_274, %dma_start3A_275] : memref<200x128xf32, #tpu.memory_space<vmem>> -> memref<50x64xf32, #tpu.memory_space<vmem>>
        tpu.enqueue_dma source(%dma_start3A_276 : memref<50x64xf32, #tpu.memory_space<vmem>>) target(%dma_start3A_273 : memref<50x64xf32, #tpu.memory_space<hbm>>) target_semaphore(%run_scoped3A : memref<!tpu.dma_semaphore, #tpu.memory_space<semaphore_mem>>)
        %dma_wait3A_277 = arith.constant 50 : i32
        %dma_wait3A_278 = arith.constant 0 : i32
        %dma_wait3A_279 = tpu.memref_slice %arg6[%dma_wait3A_277, %dma_wait3A_278] : memref<200x128xf32, #tpu.memory_space<vmem>> -> memref<50x64xf32, #tpu.memory_space<vmem>>
        %dma_wait3A_280 = arith.constant 0 : i32
        %dma_wait3A_281 = arith.constant 0 : i32
        %dma_wait3A_282 = tpu.memref_slice %arg4[%add3A_136, %dma_wait3A_280, %dma_wait3A_281] : memref<16384x56x128xf32, #tpu.memory_space<hbm>> -> memref<1x50x64xf32, #tpu.memory_space<hbm>>
        %dma_wait3A_283 = tpu.memref_squeeze %dma_wait3A_282 : memref<1x50x64xf32, #tpu.memory_space<hbm>> -> memref<50x64xf32, #tpu.memory_space<hbm>>
        %dma_wait3A_284 = arith.constant 0 : i32
        %dma_wait3A_285 = arith.constant 0 : i32
        %dma_wait3A_286 = tpu.memref_slice %arg4[%add3A_136, %dma_wait3A_284, %dma_wait3A_285] : memref<16384x56x128xf32, #tpu.memory_space<hbm>> -> memref<1x50x64xf32, #tpu.memory_space<hbm>>
        %dma_wait3A_287 = tpu.memref_squeeze %dma_wait3A_286 : memref<1x50x64xf32, #tpu.memory_space<hbm>> -> memref<50x64xf32, #tpu.memory_space<hbm>>
        %dma_wait3A_288 = arith.constant 50 : i32
        %dma_wait3A_289 = arith.constant 0 : i32
        %dma_wait3A_290 = tpu.memref_slice %arg6[%dma_wait3A_288, %dma_wait3A_289] : memref<200x128xf32, #tpu.memory_space<vmem>> -> memref<50x64xf32, #tpu.memory_space<vmem>>
        tpu.wait_dma2 semaphore(%run_scoped3A : memref<!tpu.dma_semaphore, #tpu.memory_space<semaphore_mem>>) src(%dma_wait3A_290 : memref<50x64xf32, #tpu.memory_space<vmem>>) dst(%dma_wait3A_287 : memref<50x64xf32, #tpu.memory_space<hbm>>)
        tpu.yield
      }) : () -> ()
      %mul3A_137 = arith.constant 4 : i32
      %mul3A_138 = arith.muli %add3A_120, %mul3A_137 : i32
      %add3A_139 = arith.addi %mul3A_2, %mul3A_138 : i32
      %add3A_140 = arith.constant 2 : i32
      %add3A_141 = arith.addi %add3A_139, %add3A_140 : i32
      "tpu.region"() ({
        %run_scoped3A = tpu.sem_alloc : memref<!tpu.dma_semaphore, #tpu.memory_space<semaphore_mem>>
        %dma_start3A_263 = arith.constant 100 : i32
        %dma_start3A_264 = arith.constant 0 : i32
        %dma_start3A_265 = tpu.memref_slice %arg6[%dma_start3A_263, %dma_start3A_264] : memref<200x128xf32, #tpu.memory_space<vmem>> -> memref<50x64xf32, #tpu.memory_space<vmem>>
        %dma_start3A_266 = arith.constant 0 : i32
        %dma_start3A_267 = arith.constant 0 : i32
        %dma_start3A_268 = tpu.memref_slice %arg4[%add3A_141, %dma_start3A_266, %dma_start3A_267] : memref<16384x56x128xf32, #tpu.memory_space<hbm>> -> memref<1x50x64xf32, #tpu.memory_space<hbm>>
        %dma_start3A_269 = tpu.memref_squeeze %dma_start3A_268 : memref<1x50x64xf32, #tpu.memory_space<hbm>> -> memref<50x64xf32, #tpu.memory_space<hbm>>
        %dma_start3A_270 = arith.constant 0 : i32
        %dma_start3A_271 = arith.constant 0 : i32
        %dma_start3A_272 = tpu.memref_slice %arg4[%add3A_141, %dma_start3A_270, %dma_start3A_271] : memref<16384x56x128xf32, #tpu.memory_space<hbm>> -> memref<1x50x64xf32, #tpu.memory_space<hbm>>
        %dma_start3A_273 = tpu.memref_squeeze %dma_start3A_272 : memref<1x50x64xf32, #tpu.memory_space<hbm>> -> memref<50x64xf32, #tpu.memory_space<hbm>>
        %dma_start3A_274 = arith.constant 100 : i32
        %dma_start3A_275 = arith.constant 0 : i32
        %dma_start3A_276 = tpu.memref_slice %arg6[%dma_start3A_274, %dma_start3A_275] : memref<200x128xf32, #tpu.memory_space<vmem>> -> memref<50x64xf32, #tpu.memory_space<vmem>>
        tpu.enqueue_dma source(%dma_start3A_276 : memref<50x64xf32, #tpu.memory_space<vmem>>) target(%dma_start3A_273 : memref<50x64xf32, #tpu.memory_space<hbm>>) target_semaphore(%run_scoped3A : memref<!tpu.dma_semaphore, #tpu.memory_space<semaphore_mem>>)
        %dma_wait3A_277 = arith.constant 100 : i32
        %dma_wait3A_278 = arith.constant 0 : i32
        %dma_wait3A_279 = tpu.memref_slice %arg6[%dma_wait3A_277, %dma_wait3A_278] : memref<200x128xf32, #tpu.memory_space<vmem>> -> memref<50x64xf32, #tpu.memory_space<vmem>>
        %dma_wait3A_280 = arith.constant 0 : i32
        %dma_wait3A_281 = arith.constant 0 : i32
        %dma_wait3A_282 = tpu.memref_slice %arg4[%add3A_141, %dma_wait3A_280, %dma_wait3A_281] : memref<16384x56x128xf32, #tpu.memory_space<hbm>> -> memref<1x50x64xf32, #tpu.memory_space<hbm>>
        %dma_wait3A_283 = tpu.memref_squeeze %dma_wait3A_282 : memref<1x50x64xf32, #tpu.memory_space<hbm>> -> memref<50x64xf32, #tpu.memory_space<hbm>>
        %dma_wait3A_284 = arith.constant 0 : i32
        %dma_wait3A_285 = arith.constant 0 : i32
        %dma_wait3A_286 = tpu.memref_slice %arg4[%add3A_141, %dma_wait3A_284, %dma_wait3A_285] : memref<16384x56x128xf32, #tpu.memory_space<hbm>> -> memref<1x50x64xf32, #tpu.memory_space<hbm>>
        %dma_wait3A_287 = tpu.memref_squeeze %dma_wait3A_286 : memref<1x50x64xf32, #tpu.memory_space<hbm>> -> memref<50x64xf32, #tpu.memory_space<hbm>>
        %dma_wait3A_288 = arith.constant 100 : i32
        %dma_wait3A_289 = arith.constant 0 : i32
        %dma_wait3A_290 = tpu.memref_slice %arg6[%dma_wait3A_288, %dma_wait3A_289] : memref<200x128xf32, #tpu.memory_space<vmem>> -> memref<50x64xf32, #tpu.memory_space<vmem>>
        tpu.wait_dma2 semaphore(%run_scoped3A : memref<!tpu.dma_semaphore, #tpu.memory_space<semaphore_mem>>) src(%dma_wait3A_290 : memref<50x64xf32, #tpu.memory_space<vmem>>) dst(%dma_wait3A_287 : memref<50x64xf32, #tpu.memory_space<hbm>>)
        tpu.yield
      }) : () -> ()
      %mul3A_142 = arith.constant 4 : i32
      %mul3A_143 = arith.muli %add3A_120, %mul3A_142 : i32
      %add3A_144 = arith.addi %mul3A_2, %mul3A_143 : i32
      %add3A_145 = arith.constant 3 : i32
      %add3A_146 = arith.addi %add3A_144, %add3A_145 : i32
      "tpu.region"() ({
        %run_scoped3A = tpu.sem_alloc : memref<!tpu.dma_semaphore, #tpu.memory_space<semaphore_mem>>
        %dma_start3A_263 = arith.constant 150 : i32
        %dma_start3A_264 = arith.constant 0 : i32
        %dma_start3A_265 = tpu.memref_slice %arg6[%dma_start3A_263, %dma_start3A_264] : memref<200x128xf32, #tpu.memory_space<vmem>> -> memref<50x64xf32, #tpu.memory_space<vmem>>
        %dma_start3A_266 = arith.constant 0 : i32
        %dma_start3A_267 = arith.constant 0 : i32
        %dma_start3A_268 = tpu.memref_slice %arg4[%add3A_146, %dma_start3A_266, %dma_start3A_267] : memref<16384x56x128xf32, #tpu.memory_space<hbm>> -> memref<1x50x64xf32, #tpu.memory_space<hbm>>
        %dma_start3A_269 = tpu.memref_squeeze %dma_start3A_268 : memref<1x50x64xf32, #tpu.memory_space<hbm>> -> memref<50x64xf32, #tpu.memory_space<hbm>>
        %dma_start3A_270 = arith.constant 0 : i32
        %dma_start3A_271 = arith.constant 0 : i32
        %dma_start3A_272 = tpu.memref_slice %arg4[%add3A_146, %dma_start3A_270, %dma_start3A_271] : memref<16384x56x128xf32, #tpu.memory_space<hbm>> -> memref<1x50x64xf32, #tpu.memory_space<hbm>>
        %dma_start3A_273 = tpu.memref_squeeze %dma_start3A_272 : memref<1x50x64xf32, #tpu.memory_space<hbm>> -> memref<50x64xf32, #tpu.memory_space<hbm>>
        %dma_start3A_274 = arith.constant 150 : i32
        %dma_start3A_275 = arith.constant 0 : i32
        %dma_start3A_276 = tpu.memref_slice %arg6[%dma_start3A_274, %dma_start3A_275] : memref<200x128xf32, #tpu.memory_space<vmem>> -> memref<50x64xf32, #tpu.memory_space<vmem>>
        tpu.enqueue_dma source(%dma_start3A_276 : memref<50x64xf32, #tpu.memory_space<vmem>>) target(%dma_start3A_273 : memref<50x64xf32, #tpu.memory_space<hbm>>) target_semaphore(%run_scoped3A : memref<!tpu.dma_semaphore, #tpu.memory_space<semaphore_mem>>)
        %dma_wait3A_277 = arith.constant 150 : i32
        %dma_wait3A_278 = arith.constant 0 : i32
        %dma_wait3A_279 = tpu.memref_slice %arg6[%dma_wait3A_277, %dma_wait3A_278] : memref<200x128xf32, #tpu.memory_space<vmem>> -> memref<50x64xf32, #tpu.memory_space<vmem>>
        %dma_wait3A_280 = arith.constant 0 : i32
        %dma_wait3A_281 = arith.constant 0 : i32
        %dma_wait3A_282 = tpu.memref_slice %arg4[%add3A_146, %dma_wait3A_280, %dma_wait3A_281] : memref<16384x56x128xf32, #tpu.memory_space<hbm>> -> memref<1x50x64xf32, #tpu.memory_space<hbm>>
        %dma_wait3A_283 = tpu.memref_squeeze %dma_wait3A_282 : memref<1x50x64xf32, #tpu.memory_space<hbm>> -> memref<50x64xf32, #tpu.memory_space<hbm>>
        %dma_wait3A_284 = arith.constant 0 : i32
        %dma_wait3A_285 = arith.constant 0 : i32
        %dma_wait3A_286 = tpu.memref_slice %arg4[%add3A_146, %dma_wait3A_284, %dma_wait3A_285] : memref<16384x56x128xf32, #tpu.memory_space<hbm>> -> memref<1x50x64xf32, #tpu.memory_space<hbm>>
        %dma_wait3A_287 = tpu.memref_squeeze %dma_wait3A_286 : memref<1x50x64xf32, #tpu.memory_space<hbm>> -> memref<50x64xf32, #tpu.memory_space<hbm>>
        %dma_wait3A_288 = arith.constant 150 : i32
        %dma_wait3A_289 = arith.constant 0 : i32
        %dma_wait3A_290 = tpu.memref_slice %arg6[%dma_wait3A_288, %dma_wait3A_289] : memref<200x128xf32, #tpu.memory_space<vmem>> -> memref<50x64xf32, #tpu.memory_space<vmem>>
        tpu.wait_dma2 semaphore(%run_scoped3A : memref<!tpu.dma_semaphore, #tpu.memory_space<semaphore_mem>>) src(%dma_wait3A_290 : memref<50x64xf32, #tpu.memory_space<vmem>>) dst(%dma_wait3A_287 : memref<50x64xf32, #tpu.memory_space<hbm>>)
        tpu.yield
      }) : () -> ()
      %add3A_147 = arith.constant 4 : i32
      %add3A_148 = arith.addi %add3A_120, %add3A_147 : i32
      %mul3A_149 = arith.constant 200 : i32
      %mul3A_150 = arith.muli %add3A_148, %mul3A_149 : i32
      %dma_start3A_151 = tpu.memref_slice %arg5[%mul3A_150] : memref<25600xi32, #tpu.memory_space<vmem>> -> memref<200xi32, #tpu.memory_space<vmem>>
      %dma_start3A_152 = arith.constant 0 : i32
      %dma_start3A_153 = arith.constant 0 : i32
      %dma_start3A_154 = tpu.memref_slice %arg3[%dma_start3A_152, %dma_start3A_153] : memref<1000000x128xf32, #tpu.memory_space<hbm>> -> memref<1000000x128xf32, #tpu.memory_space<hbm>>
      tpu.enqueue_indirect_dma source(%dma_start3A_154 : memref<1000000x128xf32, #tpu.memory_space<hbm>>) target(%arg6 : memref<200x128xf32, #tpu.memory_space<vmem>>) offsets(%dma_start3A_151 : memref<200xi32, #tpu.memory_space<vmem>>) semaphore(%arg10 : memref<!tpu.dma_semaphore, #tpu.memory_space<semaphore_mem>>)
      %add3A_155 = arith.constant 1 : i32
      %add3A_156 = arith.addi %mul3A_118, %add3A_155 : i32
      %dma_wait3A_157 = arith.constant 0 : i32
      %dma_wait3A_158 = arith.constant 0 : i32
      %dma_wait3A_159 = tpu.memref_slice %arg3[%dma_wait3A_157, %dma_wait3A_158] : memref<1000000x128xf32, #tpu.memory_space<hbm>> -> memref<200x128xf32, #tpu.memory_space<hbm>>
      %dma_wait3A_160 = arith.constant 0 : i32
      %dma_wait3A_161 = arith.constant 0 : i32
      %dma_wait3A_162 = tpu.memref_slice %arg3[%dma_wait3A_160, %dma_wait3A_161] : memref<1000000x128xf32, #tpu.memory_space<hbm>> -> memref<200x128xf32, #tpu.memory_space<hbm>>
      tpu.wait_dma2 semaphore(%arg11 : memref<!tpu.dma_semaphore, #tpu.memory_space<semaphore_mem>>) src(%dma_wait3A_162 : memref<200x128xf32, #tpu.memory_space<hbm>>) dst(%arg7 : memref<200x128xf32, #tpu.memory_space<vmem>>)
      %mul3A_163 = arith.constant 4 : i32
      %mul3A_164 = arith.muli %add3A_156, %mul3A_163 : i32
      %add3A_165 = arith.addi %mul3A_2, %mul3A_164 : i32
      %add3A_166 = arith.constant 0 : i32
      %add3A_167 = arith.addi %add3A_165, %add3A_166 : i32
      "tpu.region"() ({
        %run_scoped3A = tpu.sem_alloc : memref<!tpu.dma_semaphore, #tpu.memory_space<semaphore_mem>>
        %dma_start3A_263 = arith.constant 0 : i32
        %dma_start3A_264 = arith.constant 0 : i32
        %dma_start3A_265 = tpu.memref_slice %arg7[%dma_start3A_263, %dma_start3A_264] : memref<200x128xf32, #tpu.memory_space<vmem>> -> memref<50x64xf32, #tpu.memory_space<vmem>>
        %dma_start3A_266 = arith.constant 0 : i32
        %dma_start3A_267 = arith.constant 0 : i32
        %dma_start3A_268 = tpu.memref_slice %arg4[%add3A_167, %dma_start3A_266, %dma_start3A_267] : memref<16384x56x128xf32, #tpu.memory_space<hbm>> -> memref<1x50x64xf32, #tpu.memory_space<hbm>>
        %dma_start3A_269 = tpu.memref_squeeze %dma_start3A_268 : memref<1x50x64xf32, #tpu.memory_space<hbm>> -> memref<50x64xf32, #tpu.memory_space<hbm>>
        %dma_start3A_270 = arith.constant 0 : i32
        %dma_start3A_271 = arith.constant 0 : i32
        %dma_start3A_272 = tpu.memref_slice %arg4[%add3A_167, %dma_start3A_270, %dma_start3A_271] : memref<16384x56x128xf32, #tpu.memory_space<hbm>> -> memref<1x50x64xf32, #tpu.memory_space<hbm>>
        %dma_start3A_273 = tpu.memref_squeeze %dma_start3A_272 : memref<1x50x64xf32, #tpu.memory_space<hbm>> -> memref<50x64xf32, #tpu.memory_space<hbm>>
        %dma_start3A_274 = arith.constant 0 : i32
        %dma_start3A_275 = arith.constant 0 : i32
        %dma_start3A_276 = tpu.memref_slice %arg7[%dma_start3A_274, %dma_start3A_275] : memref<200x128xf32, #tpu.memory_space<vmem>> -> memref<50x64xf32, #tpu.memory_space<vmem>>
        tpu.enqueue_dma source(%dma_start3A_276 : memref<50x64xf32, #tpu.memory_space<vmem>>) target(%dma_start3A_273 : memref<50x64xf32, #tpu.memory_space<hbm>>) target_semaphore(%run_scoped3A : memref<!tpu.dma_semaphore, #tpu.memory_space<semaphore_mem>>)
        %dma_wait3A_277 = arith.constant 0 : i32
        %dma_wait3A_278 = arith.constant 0 : i32
        %dma_wait3A_279 = tpu.memref_slice %arg7[%dma_wait3A_277, %dma_wait3A_278] : memref<200x128xf32, #tpu.memory_space<vmem>> -> memref<50x64xf32, #tpu.memory_space<vmem>>
        %dma_wait3A_280 = arith.constant 0 : i32
        %dma_wait3A_281 = arith.constant 0 : i32
        %dma_wait3A_282 = tpu.memref_slice %arg4[%add3A_167, %dma_wait3A_280, %dma_wait3A_281] : memref<16384x56x128xf32, #tpu.memory_space<hbm>> -> memref<1x50x64xf32, #tpu.memory_space<hbm>>
        %dma_wait3A_283 = tpu.memref_squeeze %dma_wait3A_282 : memref<1x50x64xf32, #tpu.memory_space<hbm>> -> memref<50x64xf32, #tpu.memory_space<hbm>>
        %dma_wait3A_284 = arith.constant 0 : i32
        %dma_wait3A_285 = arith.constant 0 : i32
        %dma_wait3A_286 = tpu.memref_slice %arg4[%add3A_167, %dma_wait3A_284, %dma_wait3A_285] : memref<16384x56x128xf32, #tpu.memory_space<hbm>> -> memref<1x50x64xf32, #tpu.memory_space<hbm>>
        %dma_wait3A_287 = tpu.memref_squeeze %dma_wait3A_286 : memref<1x50x64xf32, #tpu.memory_space<hbm>> -> memref<50x64xf32, #tpu.memory_space<hbm>>
        %dma_wait3A_288 = arith.constant 0 : i32
        %dma_wait3A_289 = arith.constant 0 : i32
        %dma_wait3A_290 = tpu.memref_slice %arg7[%dma_wait3A_288, %dma_wait3A_289] : memref<200x128xf32, #tpu.memory_space<vmem>> -> memref<50x64xf32, #tpu.memory_space<vmem>>
        tpu.wait_dma2 semaphore(%run_scoped3A : memref<!tpu.dma_semaphore, #tpu.memory_space<semaphore_mem>>) src(%dma_wait3A_290 : memref<50x64xf32, #tpu.memory_space<vmem>>) dst(%dma_wait3A_287 : memref<50x64xf32, #tpu.memory_space<hbm>>)
        tpu.yield
      }) : () -> ()
      %mul3A_168 = arith.constant 4 : i32
      %mul3A_169 = arith.muli %add3A_156, %mul3A_168 : i32
      %add3A_170 = arith.addi %mul3A_2, %mul3A_169 : i32
      %add3A_171 = arith.constant 1 : i32
      %add3A_172 = arith.addi %add3A_170, %add3A_171 : i32
      "tpu.region"() ({
        %run_scoped3A = tpu.sem_alloc : memref<!tpu.dma_semaphore, #tpu.memory_space<semaphore_mem>>
        %dma_start3A_263 = arith.constant 50 : i32
        %dma_start3A_264 = arith.constant 0 : i32
        %dma_start3A_265 = tpu.memref_slice %arg7[%dma_start3A_263, %dma_start3A_264] : memref<200x128xf32, #tpu.memory_space<vmem>> -> memref<50x64xf32, #tpu.memory_space<vmem>>
        %dma_start3A_266 = arith.constant 0 : i32
        %dma_start3A_267 = arith.constant 0 : i32
        %dma_start3A_268 = tpu.memref_slice %arg4[%add3A_172, %dma_start3A_266, %dma_start3A_267] : memref<16384x56x128xf32, #tpu.memory_space<hbm>> -> memref<1x50x64xf32, #tpu.memory_space<hbm>>
        %dma_start3A_269 = tpu.memref_squeeze %dma_start3A_268 : memref<1x50x64xf32, #tpu.memory_space<hbm>> -> memref<50x64xf32, #tpu.memory_space<hbm>>
        %dma_start3A_270 = arith.constant 0 : i32
        %dma_start3A_271 = arith.constant 0 : i32
        %dma_start3A_272 = tpu.memref_slice %arg4[%add3A_172, %dma_start3A_270, %dma_start3A_271] : memref<16384x56x128xf32, #tpu.memory_space<hbm>> -> memref<1x50x64xf32, #tpu.memory_space<hbm>>
        %dma_start3A_273 = tpu.memref_squeeze %dma_start3A_272 : memref<1x50x64xf32, #tpu.memory_space<hbm>> -> memref<50x64xf32, #tpu.memory_space<hbm>>
        %dma_start3A_274 = arith.constant 50 : i32
        %dma_start3A_275 = arith.constant 0 : i32
        %dma_start3A_276 = tpu.memref_slice %arg7[%dma_start3A_274, %dma_start3A_275] : memref<200x128xf32, #tpu.memory_space<vmem>> -> memref<50x64xf32, #tpu.memory_space<vmem>>
        tpu.enqueue_dma source(%dma_start3A_276 : memref<50x64xf32, #tpu.memory_space<vmem>>) target(%dma_start3A_273 : memref<50x64xf32, #tpu.memory_space<hbm>>) target_semaphore(%run_scoped3A : memref<!tpu.dma_semaphore, #tpu.memory_space<semaphore_mem>>)
        %dma_wait3A_277 = arith.constant 50 : i32
        %dma_wait3A_278 = arith.constant 0 : i32
        %dma_wait3A_279 = tpu.memref_slice %arg7[%dma_wait3A_277, %dma_wait3A_278] : memref<200x128xf32, #tpu.memory_space<vmem>> -> memref<50x64xf32, #tpu.memory_space<vmem>>
        %dma_wait3A_280 = arith.constant 0 : i32
        %dma_wait3A_281 = arith.constant 0 : i32
        %dma_wait3A_282 = tpu.memref_slice %arg4[%add3A_172, %dma_wait3A_280, %dma_wait3A_281] : memref<16384x56x128xf32, #tpu.memory_space<hbm>> -> memref<1x50x64xf32, #tpu.memory_space<hbm>>
        %dma_wait3A_283 = tpu.memref_squeeze %dma_wait3A_282 : memref<1x50x64xf32, #tpu.memory_space<hbm>> -> memref<50x64xf32, #tpu.memory_space<hbm>>
        %dma_wait3A_284 = arith.constant 0 : i32
        %dma_wait3A_285 = arith.constant 0 : i32
        %dma_wait3A_286 = tpu.memref_slice %arg4[%add3A_172, %dma_wait3A_284, %dma_wait3A_285] : memref<16384x56x128xf32, #tpu.memory_space<hbm>> -> memref<1x50x64xf32, #tpu.memory_space<hbm>>
        %dma_wait3A_287 = tpu.memref_squeeze %dma_wait3A_286 : memref<1x50x64xf32, #tpu.memory_space<hbm>> -> memref<50x64xf32, #tpu.memory_space<hbm>>
        %dma_wait3A_288 = arith.constant 50 : i32
        %dma_wait3A_289 = arith.constant 0 : i32
        %dma_wait3A_290 = tpu.memref_slice %arg7[%dma_wait3A_288, %dma_wait3A_289] : memref<200x128xf32, #tpu.memory_space<vmem>> -> memref<50x64xf32, #tpu.memory_space<vmem>>
        tpu.wait_dma2 semaphore(%run_scoped3A : memref<!tpu.dma_semaphore, #tpu.memory_space<semaphore_mem>>) src(%dma_wait3A_290 : memref<50x64xf32, #tpu.memory_space<vmem>>) dst(%dma_wait3A_287 : memref<50x64xf32, #tpu.memory_space<hbm>>)
        tpu.yield
      }) : () -> ()
      %mul3A_173 = arith.constant 4 : i32
      %mul3A_174 = arith.muli %add3A_156, %mul3A_173 : i32
      %add3A_175 = arith.addi %mul3A_2, %mul3A_174 : i32
      %add3A_176 = arith.constant 2 : i32
      %add3A_177 = arith.addi %add3A_175, %add3A_176 : i32
      "tpu.region"() ({
        %run_scoped3A = tpu.sem_alloc : memref<!tpu.dma_semaphore, #tpu.memory_space<semaphore_mem>>
        %dma_start3A_263 = arith.constant 100 : i32
        %dma_start3A_264 = arith.constant 0 : i32
        %dma_start3A_265 = tpu.memref_slice %arg7[%dma_start3A_263, %dma_start3A_264] : memref<200x128xf32, #tpu.memory_space<vmem>> -> memref<50x64xf32, #tpu.memory_space<vmem>>
        %dma_start3A_266 = arith.constant 0 : i32
        %dma_start3A_267 = arith.constant 0 : i32
        %dma_start3A_268 = tpu.memref_slice %arg4[%add3A_177, %dma_start3A_266, %dma_start3A_267] : memref<16384x56x128xf32, #tpu.memory_space<hbm>> -> memref<1x50x64xf32, #tpu.memory_space<hbm>>
        %dma_start3A_269 = tpu.memref_squeeze %dma_start3A_268 : memref<1x50x64xf32, #tpu.memory_space<hbm>> -> memref<50x64xf32, #tpu.memory_space<hbm>>
        %dma_start3A_270 = arith.constant 0 : i32
        %dma_start3A_271 = arith.constant 0 : i32
        %dma_start3A_272 = tpu.memref_slice %arg4[%add3A_177, %dma_start3A_270, %dma_start3A_271] : memref<16384x56x128xf32, #tpu.memory_space<hbm>> -> memref<1x50x64xf32, #tpu.memory_space<hbm>>
        %dma_start3A_273 = tpu.memref_squeeze %dma_start3A_272 : memref<1x50x64xf32, #tpu.memory_space<hbm>> -> memref<50x64xf32, #tpu.memory_space<hbm>>
        %dma_start3A_274 = arith.constant 100 : i32
        %dma_start3A_275 = arith.constant 0 : i32
        %dma_start3A_276 = tpu.memref_slice %arg7[%dma_start3A_274, %dma_start3A_275] : memref<200x128xf32, #tpu.memory_space<vmem>> -> memref<50x64xf32, #tpu.memory_space<vmem>>
        tpu.enqueue_dma source(%dma_start3A_276 : memref<50x64xf32, #tpu.memory_space<vmem>>) target(%dma_start3A_273 : memref<50x64xf32, #tpu.memory_space<hbm>>) target_semaphore(%run_scoped3A : memref<!tpu.dma_semaphore, #tpu.memory_space<semaphore_mem>>)
        %dma_wait3A_277 = arith.constant 100 : i32
        %dma_wait3A_278 = arith.constant 0 : i32
        %dma_wait3A_279 = tpu.memref_slice %arg7[%dma_wait3A_277, %dma_wait3A_278] : memref<200x128xf32, #tpu.memory_space<vmem>> -> memref<50x64xf32, #tpu.memory_space<vmem>>
        %dma_wait3A_280 = arith.constant 0 : i32
        %dma_wait3A_281 = arith.constant 0 : i32
        %dma_wait3A_282 = tpu.memref_slice %arg4[%add3A_177, %dma_wait3A_280, %dma_wait3A_281] : memref<16384x56x128xf32, #tpu.memory_space<hbm>> -> memref<1x50x64xf32, #tpu.memory_space<hbm>>
        %dma_wait3A_283 = tpu.memref_squeeze %dma_wait3A_282 : memref<1x50x64xf32, #tpu.memory_space<hbm>> -> memref<50x64xf32, #tpu.memory_space<hbm>>
        %dma_wait3A_284 = arith.constant 0 : i32
        %dma_wait3A_285 = arith.constant 0 : i32
        %dma_wait3A_286 = tpu.memref_slice %arg4[%add3A_177, %dma_wait3A_284, %dma_wait3A_285] : memref<16384x56x128xf32, #tpu.memory_space<hbm>> -> memref<1x50x64xf32, #tpu.memory_space<hbm>>
        %dma_wait3A_287 = tpu.memref_squeeze %dma_wait3A_286 : memref<1x50x64xf32, #tpu.memory_space<hbm>> -> memref<50x64xf32, #tpu.memory_space<hbm>>
        %dma_wait3A_288 = arith.constant 100 : i32
        %dma_wait3A_289 = arith.constant 0 : i32
        %dma_wait3A_290 = tpu.memref_slice %arg7[%dma_wait3A_288, %dma_wait3A_289] : memref<200x128xf32, #tpu.memory_space<vmem>> -> memref<50x64xf32, #tpu.memory_space<vmem>>
        tpu.wait_dma2 semaphore(%run_scoped3A : memref<!tpu.dma_semaphore, #tpu.memory_space<semaphore_mem>>) src(%dma_wait3A_290 : memref<50x64xf32, #tpu.memory_space<vmem>>) dst(%dma_wait3A_287 : memref<50x64xf32, #tpu.memory_space<hbm>>)
        tpu.yield
      }) : () -> ()
      %mul3A_178 = arith.constant 4 : i32
      %mul3A_179 = arith.muli %add3A_156, %mul3A_178 : i32
      %add3A_180 = arith.addi %mul3A_2, %mul3A_179 : i32
      %add3A_181 = arith.constant 3 : i32
      %add3A_182 = arith.addi %add3A_180, %add3A_181 : i32
      "tpu.region"() ({
        %run_scoped3A = tpu.sem_alloc : memref<!tpu.dma_semaphore, #tpu.memory_space<semaphore_mem>>
        %dma_start3A_263 = arith.constant 150 : i32
        %dma_start3A_264 = arith.constant 0 : i32
        %dma_start3A_265 = tpu.memref_slice %arg7[%dma_start3A_263, %dma_start3A_264] : memref<200x128xf32, #tpu.memory_space<vmem>> -> memref<50x64xf32, #tpu.memory_space<vmem>>
        %dma_start3A_266 = arith.constant 0 : i32
        %dma_start3A_267 = arith.constant 0 : i32
        %dma_start3A_268 = tpu.memref_slice %arg4[%add3A_182, %dma_start3A_266, %dma_start3A_267] : memref<16384x56x128xf32, #tpu.memory_space<hbm>> -> memref<1x50x64xf32, #tpu.memory_space<hbm>>
        %dma_start3A_269 = tpu.memref_squeeze %dma_start3A_268 : memref<1x50x64xf32, #tpu.memory_space<hbm>> -> memref<50x64xf32, #tpu.memory_space<hbm>>
        %dma_start3A_270 = arith.constant 0 : i32
        %dma_start3A_271 = arith.constant 0 : i32
        %dma_start3A_272 = tpu.memref_slice %arg4[%add3A_182, %dma_start3A_270, %dma_start3A_271] : memref<16384x56x128xf32, #tpu.memory_space<hbm>> -> memref<1x50x64xf32, #tpu.memory_space<hbm>>
        %dma_start3A_273 = tpu.memref_squeeze %dma_start3A_272 : memref<1x50x64xf32, #tpu.memory_space<hbm>> -> memref<50x64xf32, #tpu.memory_space<hbm>>
        %dma_start3A_274 = arith.constant 150 : i32
        %dma_start3A_275 = arith.constant 0 : i32
        %dma_start3A_276 = tpu.memref_slice %arg7[%dma_start3A_274, %dma_start3A_275] : memref<200x128xf32, #tpu.memory_space<vmem>> -> memref<50x64xf32, #tpu.memory_space<vmem>>
        tpu.enqueue_dma source(%dma_start3A_276 : memref<50x64xf32, #tpu.memory_space<vmem>>) target(%dma_start3A_273 : memref<50x64xf32, #tpu.memory_space<hbm>>) target_semaphore(%run_scoped3A : memref<!tpu.dma_semaphore, #tpu.memory_space<semaphore_mem>>)
        %dma_wait3A_277 = arith.constant 150 : i32
        %dma_wait3A_278 = arith.constant 0 : i32
        %dma_wait3A_279 = tpu.memref_slice %arg7[%dma_wait3A_277, %dma_wait3A_278] : memref<200x128xf32, #tpu.memory_space<vmem>> -> memref<50x64xf32, #tpu.memory_space<vmem>>
        %dma_wait3A_280 = arith.constant 0 : i32
        %dma_wait3A_281 = arith.constant 0 : i32
        %dma_wait3A_282 = tpu.memref_slice %arg4[%add3A_182, %dma_wait3A_280, %dma_wait3A_281] : memref<16384x56x128xf32, #tpu.memory_space<hbm>> -> memref<1x50x64xf32, #tpu.memory_space<hbm>>
        %dma_wait3A_283 = tpu.memref_squeeze %dma_wait3A_282 : memref<1x50x64xf32, #tpu.memory_space<hbm>> -> memref<50x64xf32, #tpu.memory_space<hbm>>
        %dma_wait3A_284 = arith.constant 0 : i32
        %dma_wait3A_285 = arith.constant 0 : i32
        %dma_wait3A_286 = tpu.memref_slice %arg4[%add3A_182, %dma_wait3A_284, %dma_wait3A_285] : memref<16384x56x128xf32, #tpu.memory_space<hbm>> -> memref<1x50x64xf32, #tpu.memory_space<hbm>>
        %dma_wait3A_287 = tpu.memref_squeeze %dma_wait3A_286 : memref<1x50x64xf32, #tpu.memory_space<hbm>> -> memref<50x64xf32, #tpu.memory_space<hbm>>
        %dma_wait3A_288 = arith.constant 150 : i32
        %dma_wait3A_289 = arith.constant 0 : i32
        %dma_wait3A_290 = tpu.memref_slice %arg7[%dma_wait3A_288, %dma_wait3A_289] : memref<200x128xf32, #tpu.memory_space<vmem>> -> memref<50x64xf32, #tpu.memory_space<vmem>>
        tpu.wait_dma2 semaphore(%run_scoped3A : memref<!tpu.dma_semaphore, #tpu.memory_space<semaphore_mem>>) src(%dma_wait3A_290 : memref<50x64xf32, #tpu.memory_space<vmem>>) dst(%dma_wait3A_287 : memref<50x64xf32, #tpu.memory_space<hbm>>)
        tpu.yield
      }) : () -> ()
      %add3A_183 = arith.constant 4 : i32
      %add3A_184 = arith.addi %add3A_156, %add3A_183 : i32
      %mul3A_185 = arith.constant 200 : i32
      %mul3A_186 = arith.muli %add3A_184, %mul3A_185 : i32
      %dma_start3A_187 = tpu.memref_slice %arg5[%mul3A_186] : memref<25600xi32, #tpu.memory_space<vmem>> -> memref<200xi32, #tpu.memory_space<vmem>>
      %dma_start3A_188 = arith.constant 0 : i32
      %dma_start3A_189 = arith.constant 0 : i32
      %dma_start3A_190 = tpu.memref_slice %arg3[%dma_start3A_188, %dma_start3A_189] : memref<1000000x128xf32, #tpu.memory_space<hbm>> -> memref<1000000x128xf32, #tpu.memory_space<hbm>>
      tpu.enqueue_indirect_dma source(%dma_start3A_190 : memref<1000000x128xf32, #tpu.memory_space<hbm>>) target(%arg7 : memref<200x128xf32, #tpu.memory_space<vmem>>) offsets(%dma_start3A_187 : memref<200xi32, #tpu.memory_space<vmem>>) semaphore(%arg11 : memref<!tpu.dma_semaphore, #tpu.memory_space<semaphore_mem>>)
      %add3A_191 = arith.constant 2 : i32
      %add3A_192 = arith.addi %mul3A_118, %add3A_191 : i32
      %dma_wait3A_193 = arith.constant 0 : i32
      %dma_wait3A_194 = arith.constant 0 : i32
      %dma_wait3A_195 = tpu.memref_slice %arg3[%dma_wait3A_193, %dma_wait3A_194] : memref<1000000x128xf32, #tpu.memory_space<hbm>> -> memref<200x128xf32, #tpu.memory_space<hbm>>
      %dma_wait3A_196 = arith.constant 0 : i32
      %dma_wait3A_197 = arith.constant 0 : i32
      %dma_wait3A_198 = tpu.memref_slice %arg3[%dma_wait3A_196, %dma_wait3A_197] : memref<1000000x128xf32, #tpu.memory_space<hbm>> -> memref<200x128xf32, #tpu.memory_space<hbm>>
      tpu.wait_dma2 semaphore(%arg12 : memref<!tpu.dma_semaphore, #tpu.memory_space<semaphore_mem>>) src(%dma_wait3A_198 : memref<200x128xf32, #tpu.memory_space<hbm>>) dst(%arg8 : memref<200x128xf32, #tpu.memory_space<vmem>>)
      %mul3A_199 = arith.constant 4 : i32
      %mul3A_200 = arith.muli %add3A_192, %mul3A_199 : i32
      %add3A_201 = arith.addi %mul3A_2, %mul3A_200 : i32
      %add3A_202 = arith.constant 0 : i32
      %add3A_203 = arith.addi %add3A_201, %add3A_202 : i32
      "tpu.region"() ({
        %run_scoped3A = tpu.sem_alloc : memref<!tpu.dma_semaphore, #tpu.memory_space<semaphore_mem>>
        %dma_start3A_263 = arith.constant 0 : i32
        %dma_start3A_264 = arith.constant 0 : i32
        %dma_start3A_265 = tpu.memref_slice %arg8[%dma_start3A_263, %dma_start3A_264] : memref<200x128xf32, #tpu.memory_space<vmem>> -> memref<50x64xf32, #tpu.memory_space<vmem>>
        %dma_start3A_266 = arith.constant 0 : i32
        %dma_start3A_267 = arith.constant 0 : i32
        %dma_start3A_268 = tpu.memref_slice %arg4[%add3A_203, %dma_start3A_266, %dma_start3A_267] : memref<16384x56x128xf32, #tpu.memory_space<hbm>> -> memref<1x50x64xf32, #tpu.memory_space<hbm>>
        %dma_start3A_269 = tpu.memref_squeeze %dma_start3A_268 : memref<1x50x64xf32, #tpu.memory_space<hbm>> -> memref<50x64xf32, #tpu.memory_space<hbm>>
        %dma_start3A_270 = arith.constant 0 : i32
        %dma_start3A_271 = arith.constant 0 : i32
        %dma_start3A_272 = tpu.memref_slice %arg4[%add3A_203, %dma_start3A_270, %dma_start3A_271] : memref<16384x56x128xf32, #tpu.memory_space<hbm>> -> memref<1x50x64xf32, #tpu.memory_space<hbm>>
        %dma_start3A_273 = tpu.memref_squeeze %dma_start3A_272 : memref<1x50x64xf32, #tpu.memory_space<hbm>> -> memref<50x64xf32, #tpu.memory_space<hbm>>
        %dma_start3A_274 = arith.constant 0 : i32
        %dma_start3A_275 = arith.constant 0 : i32
        %dma_start3A_276 = tpu.memref_slice %arg8[%dma_start3A_274, %dma_start3A_275] : memref<200x128xf32, #tpu.memory_space<vmem>> -> memref<50x64xf32, #tpu.memory_space<vmem>>
        tpu.enqueue_dma source(%dma_start3A_276 : memref<50x64xf32, #tpu.memory_space<vmem>>) target(%dma_start3A_273 : memref<50x64xf32, #tpu.memory_space<hbm>>) target_semaphore(%run_scoped3A : memref<!tpu.dma_semaphore, #tpu.memory_space<semaphore_mem>>)
        %dma_wait3A_277 = arith.constant 0 : i32
        %dma_wait3A_278 = arith.constant 0 : i32
        %dma_wait3A_279 = tpu.memref_slice %arg8[%dma_wait3A_277, %dma_wait3A_278] : memref<200x128xf32, #tpu.memory_space<vmem>> -> memref<50x64xf32, #tpu.memory_space<vmem>>
        %dma_wait3A_280 = arith.constant 0 : i32
        %dma_wait3A_281 = arith.constant 0 : i32
        %dma_wait3A_282 = tpu.memref_slice %arg4[%add3A_203, %dma_wait3A_280, %dma_wait3A_281] : memref<16384x56x128xf32, #tpu.memory_space<hbm>> -> memref<1x50x64xf32, #tpu.memory_space<hbm>>
        %dma_wait3A_283 = tpu.memref_squeeze %dma_wait3A_282 : memref<1x50x64xf32, #tpu.memory_space<hbm>> -> memref<50x64xf32, #tpu.memory_space<hbm>>
        %dma_wait3A_284 = arith.constant 0 : i32
        %dma_wait3A_285 = arith.constant 0 : i32
        %dma_wait3A_286 = tpu.memref_slice %arg4[%add3A_203, %dma_wait3A_284, %dma_wait3A_285] : memref<16384x56x128xf32, #tpu.memory_space<hbm>> -> memref<1x50x64xf32, #tpu.memory_space<hbm>>
        %dma_wait3A_287 = tpu.memref_squeeze %dma_wait3A_286 : memref<1x50x64xf32, #tpu.memory_space<hbm>> -> memref<50x64xf32, #tpu.memory_space<hbm>>
        %dma_wait3A_288 = arith.constant 0 : i32
        %dma_wait3A_289 = arith.constant 0 : i32
        %dma_wait3A_290 = tpu.memref_slice %arg8[%dma_wait3A_288, %dma_wait3A_289] : memref<200x128xf32, #tpu.memory_space<vmem>> -> memref<50x64xf32, #tpu.memory_space<vmem>>
        tpu.wait_dma2 semaphore(%run_scoped3A : memref<!tpu.dma_semaphore, #tpu.memory_space<semaphore_mem>>) src(%dma_wait3A_290 : memref<50x64xf32, #tpu.memory_space<vmem>>) dst(%dma_wait3A_287 : memref<50x64xf32, #tpu.memory_space<hbm>>)
        tpu.yield
      }) : () -> ()
      %mul3A_204 = arith.constant 4 : i32
      %mul3A_205 = arith.muli %add3A_192, %mul3A_204 : i32
      %add3A_206 = arith.addi %mul3A_2, %mul3A_205 : i32
      %add3A_207 = arith.constant 1 : i32
      %add3A_208 = arith.addi %add3A_206, %add3A_207 : i32
      "tpu.region"() ({
        %run_scoped3A = tpu.sem_alloc : memref<!tpu.dma_semaphore, #tpu.memory_space<semaphore_mem>>
        %dma_start3A_263 = arith.constant 50 : i32
        %dma_start3A_264 = arith.constant 0 : i32
        %dma_start3A_265 = tpu.memref_slice %arg8[%dma_start3A_263, %dma_start3A_264] : memref<200x128xf32, #tpu.memory_space<vmem>> -> memref<50x64xf32, #tpu.memory_space<vmem>>
        %dma_start3A_266 = arith.constant 0 : i32
        %dma_start3A_267 = arith.constant 0 : i32
        %dma_start3A_268 = tpu.memref_slice %arg4[%add3A_208, %dma_start3A_266, %dma_start3A_267] : memref<16384x56x128xf32, #tpu.memory_space<hbm>> -> memref<1x50x64xf32, #tpu.memory_space<hbm>>
        %dma_start3A_269 = tpu.memref_squeeze %dma_start3A_268 : memref<1x50x64xf32, #tpu.memory_space<hbm>> -> memref<50x64xf32, #tpu.memory_space<hbm>>
        %dma_start3A_270 = arith.constant 0 : i32
        %dma_start3A_271 = arith.constant 0 : i32
        %dma_start3A_272 = tpu.memref_slice %arg4[%add3A_208, %dma_start3A_270, %dma_start3A_271] : memref<16384x56x128xf32, #tpu.memory_space<hbm>> -> memref<1x50x64xf32, #tpu.memory_space<hbm>>
        %dma_start3A_273 = tpu.memref_squeeze %dma_start3A_272 : memref<1x50x64xf32, #tpu.memory_space<hbm>> -> memref<50x64xf32, #tpu.memory_space<hbm>>
        %dma_start3A_274 = arith.constant 50 : i32
        %dma_start3A_275 = arith.constant 0 : i32
        %dma_start3A_276 = tpu.memref_slice %arg8[%dma_start3A_274, %dma_start3A_275] : memref<200x128xf32, #tpu.memory_space<vmem>> -> memref<50x64xf32, #tpu.memory_space<vmem>>
        tpu.enqueue_dma source(%dma_start3A_276 : memref<50x64xf32, #tpu.memory_space<vmem>>) target(%dma_start3A_273 : memref<50x64xf32, #tpu.memory_space<hbm>>) target_semaphore(%run_scoped3A : memref<!tpu.dma_semaphore, #tpu.memory_space<semaphore_mem>>)
        %dma_wait3A_277 = arith.constant 50 : i32
        %dma_wait3A_278 = arith.constant 0 : i32
        %dma_wait3A_279 = tpu.memref_slice %arg8[%dma_wait3A_277, %dma_wait3A_278] : memref<200x128xf32, #tpu.memory_space<vmem>> -> memref<50x64xf32, #tpu.memory_space<vmem>>
        %dma_wait3A_280 = arith.constant 0 : i32
        %dma_wait3A_281 = arith.constant 0 : i32
        %dma_wait3A_282 = tpu.memref_slice %arg4[%add3A_208, %dma_wait3A_280, %dma_wait3A_281] : memref<16384x56x128xf32, #tpu.memory_space<hbm>> -> memref<1x50x64xf32, #tpu.memory_space<hbm>>
        %dma_wait3A_283 = tpu.memref_squeeze %dma_wait3A_282 : memref<1x50x64xf32, #tpu.memory_space<hbm>> -> memref<50x64xf32, #tpu.memory_space<hbm>>
        %dma_wait3A_284 = arith.constant 0 : i32
        %dma_wait3A_285 = arith.constant 0 : i32
        %dma_wait3A_286 = tpu.memref_slice %arg4[%add3A_208, %dma_wait3A_284, %dma_wait3A_285] : memref<16384x56x128xf32, #tpu.memory_space<hbm>> -> memref<1x50x64xf32, #tpu.memory_space<hbm>>
        %dma_wait3A_287 = tpu.memref_squeeze %dma_wait3A_286 : memref<1x50x64xf32, #tpu.memory_space<hbm>> -> memref<50x64xf32, #tpu.memory_space<hbm>>
        %dma_wait3A_288 = arith.constant 50 : i32
        %dma_wait3A_289 = arith.constant 0 : i32
        %dma_wait3A_290 = tpu.memref_slice %arg8[%dma_wait3A_288, %dma_wait3A_289] : memref<200x128xf32, #tpu.memory_space<vmem>> -> memref<50x64xf32, #tpu.memory_space<vmem>>
        tpu.wait_dma2 semaphore(%run_scoped3A : memref<!tpu.dma_semaphore, #tpu.memory_space<semaphore_mem>>) src(%dma_wait3A_290 : memref<50x64xf32, #tpu.memory_space<vmem>>) dst(%dma_wait3A_287 : memref<50x64xf32, #tpu.memory_space<hbm>>)
        tpu.yield
      }) : () -> ()
      %mul3A_209 = arith.constant 4 : i32
      %mul3A_210 = arith.muli %add3A_192, %mul3A_209 : i32
      %add3A_211 = arith.addi %mul3A_2, %mul3A_210 : i32
      %add3A_212 = arith.constant 2 : i32
      %add3A_213 = arith.addi %add3A_211, %add3A_212 : i32
      "tpu.region"() ({
        %run_scoped3A = tpu.sem_alloc : memref<!tpu.dma_semaphore, #tpu.memory_space<semaphore_mem>>
        %dma_start3A_263 = arith.constant 100 : i32
        %dma_start3A_264 = arith.constant 0 : i32
        %dma_start3A_265 = tpu.memref_slice %arg8[%dma_start3A_263, %dma_start3A_264] : memref<200x128xf32, #tpu.memory_space<vmem>> -> memref<50x64xf32, #tpu.memory_space<vmem>>
        %dma_start3A_266 = arith.constant 0 : i32
        %dma_start3A_267 = arith.constant 0 : i32
        %dma_start3A_268 = tpu.memref_slice %arg4[%add3A_213, %dma_start3A_266, %dma_start3A_267] : memref<16384x56x128xf32, #tpu.memory_space<hbm>> -> memref<1x50x64xf32, #tpu.memory_space<hbm>>
        %dma_start3A_269 = tpu.memref_squeeze %dma_start3A_268 : memref<1x50x64xf32, #tpu.memory_space<hbm>> -> memref<50x64xf32, #tpu.memory_space<hbm>>
        %dma_start3A_270 = arith.constant 0 : i32
        %dma_start3A_271 = arith.constant 0 : i32
        %dma_start3A_272 = tpu.memref_slice %arg4[%add3A_213, %dma_start3A_270, %dma_start3A_271] : memref<16384x56x128xf32, #tpu.memory_space<hbm>> -> memref<1x50x64xf32, #tpu.memory_space<hbm>>
        %dma_start3A_273 = tpu.memref_squeeze %dma_start3A_272 : memref<1x50x64xf32, #tpu.memory_space<hbm>> -> memref<50x64xf32, #tpu.memory_space<hbm>>
        %dma_start3A_274 = arith.constant 100 : i32
        %dma_start3A_275 = arith.constant 0 : i32
        %dma_start3A_276 = tpu.memref_slice %arg8[%dma_start3A_274, %dma_start3A_275] : memref<200x128xf32, #tpu.memory_space<vmem>> -> memref<50x64xf32, #tpu.memory_space<vmem>>
        tpu.enqueue_dma source(%dma_start3A_276 : memref<50x64xf32, #tpu.memory_space<vmem>>) target(%dma_start3A_273 : memref<50x64xf32, #tpu.memory_space<hbm>>) target_semaphore(%run_scoped3A : memref<!tpu.dma_semaphore, #tpu.memory_space<semaphore_mem>>)
        %dma_wait3A_277 = arith.constant 100 : i32
        %dma_wait3A_278 = arith.constant 0 : i32
        %dma_wait3A_279 = tpu.memref_slice %arg8[%dma_wait3A_277, %dma_wait3A_278] : memref<200x128xf32, #tpu.memory_space<vmem>> -> memref<50x64xf32, #tpu.memory_space<vmem>>
        %dma_wait3A_280 = arith.constant 0 : i32
        %dma_wait3A_281 = arith.constant 0 : i32
        %dma_wait3A_282 = tpu.memref_slice %arg4[%add3A_213, %dma_wait3A_280, %dma_wait3A_281] : memref<16384x56x128xf32, #tpu.memory_space<hbm>> -> memref<1x50x64xf32, #tpu.memory_space<hbm>>
        %dma_wait3A_283 = tpu.memref_squeeze %dma_wait3A_282 : memref<1x50x64xf32, #tpu.memory_space<hbm>> -> memref<50x64xf32, #tpu.memory_space<hbm>>
        %dma_wait3A_284 = arith.constant 0 : i32
        %dma_wait3A_285 = arith.constant 0 : i32
        %dma_wait3A_286 = tpu.memref_slice %arg4[%add3A_213, %dma_wait3A_284, %dma_wait3A_285] : memref<16384x56x128xf32, #tpu.memory_space<hbm>> -> memref<1x50x64xf32, #tpu.memory_space<hbm>>
        %dma_wait3A_287 = tpu.memref_squeeze %dma_wait3A_286 : memref<1x50x64xf32, #tpu.memory_space<hbm>> -> memref<50x64xf32, #tpu.memory_space<hbm>>
        %dma_wait3A_288 = arith.constant 100 : i32
        %dma_wait3A_289 = arith.constant 0 : i32
        %dma_wait3A_290 = tpu.memref_slice %arg8[%dma_wait3A_288, %dma_wait3A_289] : memref<200x128xf32, #tpu.memory_space<vmem>> -> memref<50x64xf32, #tpu.memory_space<vmem>>
        tpu.wait_dma2 semaphore(%run_scoped3A : memref<!tpu.dma_semaphore, #tpu.memory_space<semaphore_mem>>) src(%dma_wait3A_290 : memref<50x64xf32, #tpu.memory_space<vmem>>) dst(%dma_wait3A_287 : memref<50x64xf32, #tpu.memory_space<hbm>>)
        tpu.yield
      }) : () -> ()
      %mul3A_214 = arith.constant 4 : i32
      %mul3A_215 = arith.muli %add3A_192, %mul3A_214 : i32
      %add3A_216 = arith.addi %mul3A_2, %mul3A_215 : i32
      %add3A_217 = arith.constant 3 : i32
      %add3A_218 = arith.addi %add3A_216, %add3A_217 : i32
      "tpu.region"() ({
        %run_scoped3A = tpu.sem_alloc : memref<!tpu.dma_semaphore, #tpu.memory_space<semaphore_mem>>
        %dma_start3A_263 = arith.constant 150 : i32
        %dma_start3A_264 = arith.constant 0 : i32
        %dma_start3A_265 = tpu.memref_slice %arg8[%dma_start3A_263, %dma_start3A_264] : memref<200x128xf32, #tpu.memory_space<vmem>> -> memref<50x64xf32, #tpu.memory_space<vmem>>
        %dma_start3A_266 = arith.constant 0 : i32
        %dma_start3A_267 = arith.constant 0 : i32
        %dma_start3A_268 = tpu.memref_slice %arg4[%add3A_218, %dma_start3A_266, %dma_start3A_267] : memref<16384x56x128xf32, #tpu.memory_space<hbm>> -> memref<1x50x64xf32, #tpu.memory_space<hbm>>
        %dma_start3A_269 = tpu.memref_squeeze %dma_start3A_268 : memref<1x50x64xf32, #tpu.memory_space<hbm>> -> memref<50x64xf32, #tpu.memory_space<hbm>>
        %dma_start3A_270 = arith.constant 0 : i32
        %dma_start3A_271 = arith.constant 0 : i32
        %dma_start3A_272 = tpu.memref_slice %arg4[%add3A_218, %dma_start3A_270, %dma_start3A_271] : memref<16384x56x128xf32, #tpu.memory_space<hbm>> -> memref<1x50x64xf32, #tpu.memory_space<hbm>>
        %dma_start3A_273 = tpu.memref_squeeze %dma_start3A_272 : memref<1x50x64xf32, #tpu.memory_space<hbm>> -> memref<50x64xf32, #tpu.memory_space<hbm>>
        %dma_start3A_274 = arith.constant 150 : i32
        %dma_start3A_275 = arith.constant 0 : i32
        %dma_start3A_276 = tpu.memref_slice %arg8[%dma_start3A_274, %dma_start3A_275] : memref<200x128xf32, #tpu.memory_space<vmem>> -> memref<50x64xf32, #tpu.memory_space<vmem>>
        tpu.enqueue_dma source(%dma_start3A_276 : memref<50x64xf32, #tpu.memory_space<vmem>>) target(%dma_start3A_273 : memref<50x64xf32, #tpu.memory_space<hbm>>) target_semaphore(%run_scoped3A : memref<!tpu.dma_semaphore, #tpu.memory_space<semaphore_mem>>)
        %dma_wait3A_277 = arith.constant 150 : i32
        %dma_wait3A_278 = arith.constant 0 : i32
        %dma_wait3A_279 = tpu.memref_slice %arg8[%dma_wait3A_277, %dma_wait3A_278] : memref<200x128xf32, #tpu.memory_space<vmem>> -> memref<50x64xf32, #tpu.memory_space<vmem>>
        %dma_wait3A_280 = arith.constant 0 : i32
        %dma_wait3A_281 = arith.constant 0 : i32
        %dma_wait3A_282 = tpu.memref_slice %arg4[%add3A_218, %dma_wait3A_280, %dma_wait3A_281] : memref<16384x56x128xf32, #tpu.memory_space<hbm>> -> memref<1x50x64xf32, #tpu.memory_space<hbm>>
        %dma_wait3A_283 = tpu.memref_squeeze %dma_wait3A_282 : memref<1x50x64xf32, #tpu.memory_space<hbm>> -> memref<50x64xf32, #tpu.memory_space<hbm>>
        %dma_wait3A_284 = arith.constant 0 : i32
        %dma_wait3A_285 = arith.constant 0 : i32
        %dma_wait3A_286 = tpu.memref_slice %arg4[%add3A_218, %dma_wait3A_284, %dma_wait3A_285] : memref<16384x56x128xf32, #tpu.memory_space<hbm>> -> memref<1x50x64xf32, #tpu.memory_space<hbm>>
        %dma_wait3A_287 = tpu.memref_squeeze %dma_wait3A_286 : memref<1x50x64xf32, #tpu.memory_space<hbm>> -> memref<50x64xf32, #tpu.memory_space<hbm>>
        %dma_wait3A_288 = arith.constant 150 : i32
        %dma_wait3A_289 = arith.constant 0 : i32
        %dma_wait3A_290 = tpu.memref_slice %arg8[%dma_wait3A_288, %dma_wait3A_289] : memref<200x128xf32, #tpu.memory_space<vmem>> -> memref<50x64xf32, #tpu.memory_space<vmem>>
        tpu.wait_dma2 semaphore(%run_scoped3A : memref<!tpu.dma_semaphore, #tpu.memory_space<semaphore_mem>>) src(%dma_wait3A_290 : memref<50x64xf32, #tpu.memory_space<vmem>>) dst(%dma_wait3A_287 : memref<50x64xf32, #tpu.memory_space<hbm>>)
        tpu.yield
      }) : () -> ()
      %add3A_219 = arith.constant 4 : i32
      %add3A_220 = arith.addi %add3A_192, %add3A_219 : i32
      %mul3A_221 = arith.constant 200 : i32
      %mul3A_222 = arith.muli %add3A_220, %mul3A_221 : i32
      %dma_start3A_223 = tpu.memref_slice %arg5[%mul3A_222] : memref<25600xi32, #tpu.memory_space<vmem>> -> memref<200xi32, #tpu.memory_space<vmem>>
      %dma_start3A_224 = arith.constant 0 : i32
      %dma_start3A_225 = arith.constant 0 : i32
      %dma_start3A_226 = tpu.memref_slice %arg3[%dma_start3A_224, %dma_start3A_225] : memref<1000000x128xf32, #tpu.memory_space<hbm>> -> memref<1000000x128xf32, #tpu.memory_space<hbm>>
      tpu.enqueue_indirect_dma source(%dma_start3A_226 : memref<1000000x128xf32, #tpu.memory_space<hbm>>) target(%arg8 : memref<200x128xf32, #tpu.memory_space<vmem>>) offsets(%dma_start3A_223 : memref<200xi32, #tpu.memory_space<vmem>>) semaphore(%arg12 : memref<!tpu.dma_semaphore, #tpu.memory_space<semaphore_mem>>)
      %add3A_227 = arith.constant 3 : i32
      %add3A_228 = arith.addi %mul3A_118, %add3A_227 : i32
      %dma_wait3A_229 = arith.constant 0 : i32
      %dma_wait3A_230 = arith.constant 0 : i32
      %dma_wait3A_231 = tpu.memref_slice %arg3[%dma_wait3A_229, %dma_wait3A_230] : memref<1000000x128xf32, #tpu.memory_space<hbm>> -> memref<200x128xf32, #tpu.memory_space<hbm>>
      %dma_wait3A_232 = arith.constant 0 : i32
      %dma_wait3A_233 = arith.constant 0 : i32
      %dma_wait3A_234 = tpu.memref_slice %arg3[%dma_wait3A_232, %dma_wait3A_233] : memref<1000000x128xf32, #tpu.memory_space<hbm>> -> memref<200x128xf32, #tpu.memory_space<hbm>>
      tpu.wait_dma2 semaphore(%arg13 : memref<!tpu.dma_semaphore, #tpu.memory_space<semaphore_mem>>) src(%dma_wait3A_234 : memref<200x128xf32, #tpu.memory_space<hbm>>) dst(%arg9 : memref<200x128xf32, #tpu.memory_space<vmem>>)
      %mul3A_235 = arith.constant 4 : i32
      %mul3A_236 = arith.muli %add3A_228, %mul3A_235 : i32
      %add3A_237 = arith.addi %mul3A_2, %mul3A_236 : i32
      %add3A_238 = arith.constant 0 : i32
      %add3A_239 = arith.addi %add3A_237, %add3A_238 : i32
      "tpu.region"() ({
        %run_scoped3A = tpu.sem_alloc : memref<!tpu.dma_semaphore, #tpu.memory_space<semaphore_mem>>
        %dma_start3A_263 = arith.constant 0 : i32
        %dma_start3A_264 = arith.constant 0 : i32
        %dma_start3A_265 = tpu.memref_slice %arg9[%dma_start3A_263, %dma_start3A_264] : memref<200x128xf32, #tpu.memory_space<vmem>> -> memref<50x64xf32, #tpu.memory_space<vmem>>
        %dma_start3A_266 = arith.constant 0 : i32
        %dma_start3A_267 = arith.constant 0 : i32
        %dma_start3A_268 = tpu.memref_slice %arg4[%add3A_239, %dma_start3A_266, %dma_start3A_267] : memref<16384x56x128xf32, #tpu.memory_space<hbm>> -> memref<1x50x64xf32, #tpu.memory_space<hbm>>
        %dma_start3A_269 = tpu.memref_squeeze %dma_start3A_268 : memref<1x50x64xf32, #tpu.memory_space<hbm>> -> memref<50x64xf32, #tpu.memory_space<hbm>>
        %dma_start3A_270 = arith.constant 0 : i32
        %dma_start3A_271 = arith.constant 0 : i32
        %dma_start3A_272 = tpu.memref_slice %arg4[%add3A_239, %dma_start3A_270, %dma_start3A_271] : memref<16384x56x128xf32, #tpu.memory_space<hbm>> -> memref<1x50x64xf32, #tpu.memory_space<hbm>>
        %dma_start3A_273 = tpu.memref_squeeze %dma_start3A_272 : memref<1x50x64xf32, #tpu.memory_space<hbm>> -> memref<50x64xf32, #tpu.memory_space<hbm>>
        %dma_start3A_274 = arith.constant 0 : i32
        %dma_start3A_275 = arith.constant 0 : i32
        %dma_start3A_276 = tpu.memref_slice %arg9[%dma_start3A_274, %dma_start3A_275] : memref<200x128xf32, #tpu.memory_space<vmem>> -> memref<50x64xf32, #tpu.memory_space<vmem>>
        tpu.enqueue_dma source(%dma_start3A_276 : memref<50x64xf32, #tpu.memory_space<vmem>>) target(%dma_start3A_273 : memref<50x64xf32, #tpu.memory_space<hbm>>) target_semaphore(%run_scoped3A : memref<!tpu.dma_semaphore, #tpu.memory_space<semaphore_mem>>)
        %dma_wait3A_277 = arith.constant 0 : i32
        %dma_wait3A_278 = arith.constant 0 : i32
        %dma_wait3A_279 = tpu.memref_slice %arg9[%dma_wait3A_277, %dma_wait3A_278] : memref<200x128xf32, #tpu.memory_space<vmem>> -> memref<50x64xf32, #tpu.memory_space<vmem>>
        %dma_wait3A_280 = arith.constant 0 : i32
        %dma_wait3A_281 = arith.constant 0 : i32
        %dma_wait3A_282 = tpu.memref_slice %arg4[%add3A_239, %dma_wait3A_280, %dma_wait3A_281] : memref<16384x56x128xf32, #tpu.memory_space<hbm>> -> memref<1x50x64xf32, #tpu.memory_space<hbm>>
        %dma_wait3A_283 = tpu.memref_squeeze %dma_wait3A_282 : memref<1x50x64xf32, #tpu.memory_space<hbm>> -> memref<50x64xf32, #tpu.memory_space<hbm>>
        %dma_wait3A_284 = arith.constant 0 : i32
        %dma_wait3A_285 = arith.constant 0 : i32
        %dma_wait3A_286 = tpu.memref_slice %arg4[%add3A_239, %dma_wait3A_284, %dma_wait3A_285] : memref<16384x56x128xf32, #tpu.memory_space<hbm>> -> memref<1x50x64xf32, #tpu.memory_space<hbm>>
        %dma_wait3A_287 = tpu.memref_squeeze %dma_wait3A_286 : memref<1x50x64xf32, #tpu.memory_space<hbm>> -> memref<50x64xf32, #tpu.memory_space<hbm>>
        %dma_wait3A_288 = arith.constant 0 : i32
        %dma_wait3A_289 = arith.constant 0 : i32
        %dma_wait3A_290 = tpu.memref_slice %arg9[%dma_wait3A_288, %dma_wait3A_289] : memref<200x128xf32, #tpu.memory_space<vmem>> -> memref<50x64xf32, #tpu.memory_space<vmem>>
        tpu.wait_dma2 semaphore(%run_scoped3A : memref<!tpu.dma_semaphore, #tpu.memory_space<semaphore_mem>>) src(%dma_wait3A_290 : memref<50x64xf32, #tpu.memory_space<vmem>>) dst(%dma_wait3A_287 : memref<50x64xf32, #tpu.memory_space<hbm>>)
        tpu.yield
      }) : () -> ()
      %mul3A_240 = arith.constant 4 : i32
      %mul3A_241 = arith.muli %add3A_228, %mul3A_240 : i32
      %add3A_242 = arith.addi %mul3A_2, %mul3A_241 : i32
      %add3A_243 = arith.constant 1 : i32
      %add3A_244 = arith.addi %add3A_242, %add3A_243 : i32
      "tpu.region"() ({
        %run_scoped3A = tpu.sem_alloc : memref<!tpu.dma_semaphore, #tpu.memory_space<semaphore_mem>>
        %dma_start3A_263 = arith.constant 50 : i32
        %dma_start3A_264 = arith.constant 0 : i32
        %dma_start3A_265 = tpu.memref_slice %arg9[%dma_start3A_263, %dma_start3A_264] : memref<200x128xf32, #tpu.memory_space<vmem>> -> memref<50x64xf32, #tpu.memory_space<vmem>>
        %dma_start3A_266 = arith.constant 0 : i32
        %dma_start3A_267 = arith.constant 0 : i32
        %dma_start3A_268 = tpu.memref_slice %arg4[%add3A_244, %dma_start3A_266, %dma_start3A_267] : memref<16384x56x128xf32, #tpu.memory_space<hbm>> -> memref<1x50x64xf32, #tpu.memory_space<hbm>>
        %dma_start3A_269 = tpu.memref_squeeze %dma_start3A_268 : memref<1x50x64xf32, #tpu.memory_space<hbm>> -> memref<50x64xf32, #tpu.memory_space<hbm>>
        %dma_start3A_270 = arith.constant 0 : i32
        %dma_start3A_271 = arith.constant 0 : i32
        %dma_start3A_272 = tpu.memref_slice %arg4[%add3A_244, %dma_start3A_270, %dma_start3A_271] : memref<16384x56x128xf32, #tpu.memory_space<hbm>> -> memref<1x50x64xf32, #tpu.memory_space<hbm>>
        %dma_start3A_273 = tpu.memref_squeeze %dma_start3A_272 : memref<1x50x64xf32, #tpu.memory_space<hbm>> -> memref<50x64xf32, #tpu.memory_space<hbm>>
        %dma_start3A_274 = arith.constant 50 : i32
        %dma_start3A_275 = arith.constant 0 : i32
        %dma_start3A_276 = tpu.memref_slice %arg9[%dma_start3A_274, %dma_start3A_275] : memref<200x128xf32, #tpu.memory_space<vmem>> -> memref<50x64xf32, #tpu.memory_space<vmem>>
        tpu.enqueue_dma source(%dma_start3A_276 : memref<50x64xf32, #tpu.memory_space<vmem>>) target(%dma_start3A_273 : memref<50x64xf32, #tpu.memory_space<hbm>>) target_semaphore(%run_scoped3A : memref<!tpu.dma_semaphore, #tpu.memory_space<semaphore_mem>>)
        %dma_wait3A_277 = arith.constant 50 : i32
        %dma_wait3A_278 = arith.constant 0 : i32
        %dma_wait3A_279 = tpu.memref_slice %arg9[%dma_wait3A_277, %dma_wait3A_278] : memref<200x128xf32, #tpu.memory_space<vmem>> -> memref<50x64xf32, #tpu.memory_space<vmem>>
        %dma_wait3A_280 = arith.constant 0 : i32
        %dma_wait3A_281 = arith.constant 0 : i32
        %dma_wait3A_282 = tpu.memref_slice %arg4[%add3A_244, %dma_wait3A_280, %dma_wait3A_281] : memref<16384x56x128xf32, #tpu.memory_space<hbm>> -> memref<1x50x64xf32, #tpu.memory_space<hbm>>
        %dma_wait3A_283 = tpu.memref_squeeze %dma_wait3A_282 : memref<1x50x64xf32, #tpu.memory_space<hbm>> -> memref<50x64xf32, #tpu.memory_space<hbm>>
        %dma_wait3A_284 = arith.constant 0 : i32
        %dma_wait3A_285 = arith.constant 0 : i32
        %dma_wait3A_286 = tpu.memref_slice %arg4[%add3A_244, %dma_wait3A_284, %dma_wait3A_285] : memref<16384x56x128xf32, #tpu.memory_space<hbm>> -> memref<1x50x64xf32, #tpu.memory_space<hbm>>
        %dma_wait3A_287 = tpu.memref_squeeze %dma_wait3A_286 : memref<1x50x64xf32, #tpu.memory_space<hbm>> -> memref<50x64xf32, #tpu.memory_space<hbm>>
        %dma_wait3A_288 = arith.constant 50 : i32
        %dma_wait3A_289 = arith.constant 0 : i32
        %dma_wait3A_290 = tpu.memref_slice %arg9[%dma_wait3A_288, %dma_wait3A_289] : memref<200x128xf32, #tpu.memory_space<vmem>> -> memref<50x64xf32, #tpu.memory_space<vmem>>
        tpu.wait_dma2 semaphore(%run_scoped3A : memref<!tpu.dma_semaphore, #tpu.memory_space<semaphore_mem>>) src(%dma_wait3A_290 : memref<50x64xf32, #tpu.memory_space<vmem>>) dst(%dma_wait3A_287 : memref<50x64xf32, #tpu.memory_space<hbm>>)
        tpu.yield
      }) : () -> ()
      %mul3A_245 = arith.constant 4 : i32
      %mul3A_246 = arith.muli %add3A_228, %mul3A_245 : i32
      %add3A_247 = arith.addi %mul3A_2, %mul3A_246 : i32
      %add3A_248 = arith.constant 2 : i32
      %add3A_249 = arith.addi %add3A_247, %add3A_248 : i32
      "tpu.region"() ({
        %run_scoped3A = tpu.sem_alloc : memref<!tpu.dma_semaphore, #tpu.memory_space<semaphore_mem>>
        %dma_start3A_263 = arith.constant 100 : i32
        %dma_start3A_264 = arith.constant 0 : i32
        %dma_start3A_265 = tpu.memref_slice %arg9[%dma_start3A_263, %dma_start3A_264] : memref<200x128xf32, #tpu.memory_space<vmem>> -> memref<50x64xf32, #tpu.memory_space<vmem>>
        %dma_start3A_266 = arith.constant 0 : i32
        %dma_start3A_267 = arith.constant 0 : i32
        %dma_start3A_268 = tpu.memref_slice %arg4[%add3A_249, %dma_start3A_266, %dma_start3A_267] : memref<16384x56x128xf32, #tpu.memory_space<hbm>> -> memref<1x50x64xf32, #tpu.memory_space<hbm>>
        %dma_start3A_269 = tpu.memref_squeeze %dma_start3A_268 : memref<1x50x64xf32, #tpu.memory_space<hbm>> -> memref<50x64xf32, #tpu.memory_space<hbm>>
        %dma_start3A_270 = arith.constant 0 : i32
        %dma_start3A_271 = arith.constant 0 : i32
        %dma_start3A_272 = tpu.memref_slice %arg4[%add3A_249, %dma_start3A_270, %dma_start3A_271] : memref<16384x56x128xf32, #tpu.memory_space<hbm>> -> memref<1x50x64xf32, #tpu.memory_space<hbm>>
        %dma_start3A_273 = tpu.memref_squeeze %dma_start3A_272 : memref<1x50x64xf32, #tpu.memory_space<hbm>> -> memref<50x64xf32, #tpu.memory_space<hbm>>
        %dma_start3A_274 = arith.constant 100 : i32
        %dma_start3A_275 = arith.constant 0 : i32
        %dma_start3A_276 = tpu.memref_slice %arg9[%dma_start3A_274, %dma_start3A_275] : memref<200x128xf32, #tpu.memory_space<vmem>> -> memref<50x64xf32, #tpu.memory_space<vmem>>
        tpu.enqueue_dma source(%dma_start3A_276 : memref<50x64xf32, #tpu.memory_space<vmem>>) target(%dma_start3A_273 : memref<50x64xf32, #tpu.memory_space<hbm>>) target_semaphore(%run_scoped3A : memref<!tpu.dma_semaphore, #tpu.memory_space<semaphore_mem>>)
        %dma_wait3A_277 = arith.constant 100 : i32
        %dma_wait3A_278 = arith.constant 0 : i32
        %dma_wait3A_279 = tpu.memref_slice %arg9[%dma_wait3A_277, %dma_wait3A_278] : memref<200x128xf32, #tpu.memory_space<vmem>> -> memref<50x64xf32, #tpu.memory_space<vmem>>
        %dma_wait3A_280 = arith.constant 0 : i32
        %dma_wait3A_281 = arith.constant 0 : i32
        %dma_wait3A_282 = tpu.memref_slice %arg4[%add3A_249, %dma_wait3A_280, %dma_wait3A_281] : memref<16384x56x128xf32, #tpu.memory_space<hbm>> -> memref<1x50x64xf32, #tpu.memory_space<hbm>>
        %dma_wait3A_283 = tpu.memref_squeeze %dma_wait3A_282 : memref<1x50x64xf32, #tpu.memory_space<hbm>> -> memref<50x64xf32, #tpu.memory_space<hbm>>
        %dma_wait3A_284 = arith.constant 0 : i32
        %dma_wait3A_285 = arith.constant 0 : i32
        %dma_wait3A_286 = tpu.memref_slice %arg4[%add3A_249, %dma_wait3A_284, %dma_wait3A_285] : memref<16384x56x128xf32, #tpu.memory_space<hbm>> -> memref<1x50x64xf32, #tpu.memory_space<hbm>>
        %dma_wait3A_287 = tpu.memref_squeeze %dma_wait3A_286 : memref<1x50x64xf32, #tpu.memory_space<hbm>> -> memref<50x64xf32, #tpu.memory_space<hbm>>
        %dma_wait3A_288 = arith.constant 100 : i32
        %dma_wait3A_289 = arith.constant 0 : i32
        %dma_wait3A_290 = tpu.memref_slice %arg9[%dma_wait3A_288, %dma_wait3A_289] : memref<200x128xf32, #tpu.memory_space<vmem>> -> memref<50x64xf32, #tpu.memory_space<vmem>>
        tpu.wait_dma2 semaphore(%run_scoped3A : memref<!tpu.dma_semaphore, #tpu.memory_space<semaphore_mem>>) src(%dma_wait3A_290 : memref<50x64xf32, #tpu.memory_space<vmem>>) dst(%dma_wait3A_287 : memref<50x64xf32, #tpu.memory_space<hbm>>)
        tpu.yield
      }) : () -> ()
      %mul3A_250 = arith.constant 4 : i32
      %mul3A_251 = arith.muli %add3A_228, %mul3A_250 : i32
      %add3A_252 = arith.addi %mul3A_2, %mul3A_251 : i32
      %add3A_253 = arith.constant 3 : i32
      %add3A_254 = arith.addi %add3A_252, %add3A_253 : i32
      "tpu.region"() ({
        %run_scoped3A = tpu.sem_alloc : memref<!tpu.dma_semaphore, #tpu.memory_space<semaphore_mem>>
        %dma_start3A_263 = arith.constant 150 : i32
        %dma_start3A_264 = arith.constant 0 : i32
        %dma_start3A_265 = tpu.memref_slice %arg9[%dma_start3A_263, %dma_start3A_264] : memref<200x128xf32, #tpu.memory_space<vmem>> -> memref<50x64xf32, #tpu.memory_space<vmem>>
        %dma_start3A_266 = arith.constant 0 : i32
        %dma_start3A_267 = arith.constant 0 : i32
        %dma_start3A_268 = tpu.memref_slice %arg4[%add3A_254, %dma_start3A_266, %dma_start3A_267] : memref<16384x56x128xf32, #tpu.memory_space<hbm>> -> memref<1x50x64xf32, #tpu.memory_space<hbm>>
        %dma_start3A_269 = tpu.memref_squeeze %dma_start3A_268 : memref<1x50x64xf32, #tpu.memory_space<hbm>> -> memref<50x64xf32, #tpu.memory_space<hbm>>
        %dma_start3A_270 = arith.constant 0 : i32
        %dma_start3A_271 = arith.constant 0 : i32
        %dma_start3A_272 = tpu.memref_slice %arg4[%add3A_254, %dma_start3A_270, %dma_start3A_271] : memref<16384x56x128xf32, #tpu.memory_space<hbm>> -> memref<1x50x64xf32, #tpu.memory_space<hbm>>
        %dma_start3A_273 = tpu.memref_squeeze %dma_start3A_272 : memref<1x50x64xf32, #tpu.memory_space<hbm>> -> memref<50x64xf32, #tpu.memory_space<hbm>>
        %dma_start3A_274 = arith.constant 150 : i32
        %dma_start3A_275 = arith.constant 0 : i32
        %dma_start3A_276 = tpu.memref_slice %arg9[%dma_start3A_274, %dma_start3A_275] : memref<200x128xf32, #tpu.memory_space<vmem>> -> memref<50x64xf32, #tpu.memory_space<vmem>>
        tpu.enqueue_dma source(%dma_start3A_276 : memref<50x64xf32, #tpu.memory_space<vmem>>) target(%dma_start3A_273 : memref<50x64xf32, #tpu.memory_space<hbm>>) target_semaphore(%run_scoped3A : memref<!tpu.dma_semaphore, #tpu.memory_space<semaphore_mem>>)
        %dma_wait3A_277 = arith.constant 150 : i32
        %dma_wait3A_278 = arith.constant 0 : i32
        %dma_wait3A_279 = tpu.memref_slice %arg9[%dma_wait3A_277, %dma_wait3A_278] : memref<200x128xf32, #tpu.memory_space<vmem>> -> memref<50x64xf32, #tpu.memory_space<vmem>>
        %dma_wait3A_280 = arith.constant 0 : i32
        %dma_wait3A_281 = arith.constant 0 : i32
        %dma_wait3A_282 = tpu.memref_slice %arg4[%add3A_254, %dma_wait3A_280, %dma_wait3A_281] : memref<16384x56x128xf32, #tpu.memory_space<hbm>> -> memref<1x50x64xf32, #tpu.memory_space<hbm>>
        %dma_wait3A_283 = tpu.memref_squeeze %dma_wait3A_282 : memref<1x50x64xf32, #tpu.memory_space<hbm>> -> memref<50x64xf32, #tpu.memory_space<hbm>>
        %dma_wait3A_284 = arith.constant 0 : i32
        %dma_wait3A_285 = arith.constant 0 : i32
        %dma_wait3A_286 = tpu.memref_slice %arg4[%add3A_254, %dma_wait3A_284, %dma_wait3A_285] : memref<16384x56x128xf32, #tpu.memory_space<hbm>> -> memref<1x50x64xf32, #tpu.memory_space<hbm>>
        %dma_wait3A_287 = tpu.memref_squeeze %dma_wait3A_286 : memref<1x50x64xf32, #tpu.memory_space<hbm>> -> memref<50x64xf32, #tpu.memory_space<hbm>>
        %dma_wait3A_288 = arith.constant 150 : i32
        %dma_wait3A_289 = arith.constant 0 : i32
        %dma_wait3A_290 = tpu.memref_slice %arg9[%dma_wait3A_288, %dma_wait3A_289] : memref<200x128xf32, #tpu.memory_space<vmem>> -> memref<50x64xf32, #tpu.memory_space<vmem>>
        tpu.wait_dma2 semaphore(%run_scoped3A : memref<!tpu.dma_semaphore, #tpu.memory_space<semaphore_mem>>) src(%dma_wait3A_290 : memref<50x64xf32, #tpu.memory_space<vmem>>) dst(%dma_wait3A_287 : memref<50x64xf32, #tpu.memory_space<hbm>>)
        tpu.yield
      }) : () -> ()
      %add3A_255 = arith.constant 4 : i32
      %add3A_256 = arith.addi %add3A_228, %add3A_255 : i32
      %mul3A_257 = arith.constant 200 : i32
      %mul3A_258 = arith.muli %add3A_256, %mul3A_257 : i32
      %dma_start3A_259 = tpu.memref_slice %arg5[%mul3A_258] : memref<25600xi32, #tpu.memory_space<vmem>> -> memref<200xi32, #tpu.memory_space<vmem>>
      %dma_start3A_260 = arith.constant 0 : i32
      %dma_start3A_261 = arith.constant 0 : i32
      %dma_start3A_262 = tpu.memref_slice %arg3[%dma_start3A_260, %dma_start3A_261] : memref<1000000x128xf32, #tpu.memory_space<hbm>> -> memref<1000000x128xf32, #tpu.memory_space<hbm>>
      tpu.enqueue_indirect_dma source(%dma_start3A_262 : memref<1000000x128xf32, #tpu.memory_space<hbm>>) target(%arg9 : memref<200x128xf32, #tpu.memory_space<vmem>>) offsets(%dma_start3A_259 : memref<200xi32, #tpu.memory_space<vmem>>) semaphore(%arg13 : memref<!tpu.dma_semaphore, #tpu.memory_space<semaphore_mem>>)
    }
    %scan3A_28 = arith.constant 31 : i32
    %dma_wait3A = arith.constant 0 : i32
    %dma_wait3A_29 = arith.constant 0 : i32
    %dma_wait3A_30 = tpu.memref_slice %arg3[%dma_wait3A, %dma_wait3A_29] : memref<1000000x128xf32, #tpu.memory_space<hbm>> -> memref<200x128xf32, #tpu.memory_space<hbm>>
    %dma_wait3A_31 = arith.constant 0 : i32
    %dma_wait3A_32 = arith.constant 0 : i32
    %dma_wait3A_33 = tpu.memref_slice %arg3[%dma_wait3A_31, %dma_wait3A_32] : memref<1000000x128xf32, #tpu.memory_space<hbm>> -> memref<200x128xf32, #tpu.memory_space<hbm>>
    tpu.wait_dma2 semaphore(%arg10 : memref<!tpu.dma_semaphore, #tpu.memory_space<semaphore_mem>>) src(%dma_wait3A_33 : memref<200x128xf32, #tpu.memory_space<hbm>>) dst(%arg6 : memref<200x128xf32, #tpu.memory_space<vmem>>)
    %add3A_34 = arith.constant 496 : i32
    %add3A_35 = arith.addi %mul3A_2, %add3A_34 : i32
    %add3A_36 = arith.constant 0 : i32
    %add3A_37 = arith.addi %add3A_35, %add3A_36 : i32
    "tpu.region"() ({
      %run_scoped3A = tpu.sem_alloc : memref<!tpu.dma_semaphore, #tpu.memory_space<semaphore_mem>>
      %dma_start3A_116 = arith.constant 0 : i32
      %dma_start3A_117 = arith.constant 0 : i32
      %dma_start3A_118 = tpu.memref_slice %arg6[%dma_start3A_116, %dma_start3A_117] : memref<200x128xf32, #tpu.memory_space<vmem>> -> memref<50x64xf32, #tpu.memory_space<vmem>>
      %dma_start3A_119 = arith.constant 0 : i32
      %dma_start3A_120 = arith.constant 0 : i32
      %dma_start3A_121 = tpu.memref_slice %arg4[%add3A_37, %dma_start3A_119, %dma_start3A_120] : memref<16384x56x128xf32, #tpu.memory_space<hbm>> -> memref<1x50x64xf32, #tpu.memory_space<hbm>>
      %dma_start3A_122 = tpu.memref_squeeze %dma_start3A_121 : memref<1x50x64xf32, #tpu.memory_space<hbm>> -> memref<50x64xf32, #tpu.memory_space<hbm>>
      %dma_start3A_123 = arith.constant 0 : i32
      %dma_start3A_124 = arith.constant 0 : i32
      %dma_start3A_125 = tpu.memref_slice %arg4[%add3A_37, %dma_start3A_123, %dma_start3A_124] : memref<16384x56x128xf32, #tpu.memory_space<hbm>> -> memref<1x50x64xf32, #tpu.memory_space<hbm>>
      %dma_start3A_126 = tpu.memref_squeeze %dma_start3A_125 : memref<1x50x64xf32, #tpu.memory_space<hbm>> -> memref<50x64xf32, #tpu.memory_space<hbm>>
      %dma_start3A_127 = arith.constant 0 : i32
      %dma_start3A_128 = arith.constant 0 : i32
      %dma_start3A_129 = tpu.memref_slice %arg6[%dma_start3A_127, %dma_start3A_128] : memref<200x128xf32, #tpu.memory_space<vmem>> -> memref<50x64xf32, #tpu.memory_space<vmem>>
      tpu.enqueue_dma source(%dma_start3A_129 : memref<50x64xf32, #tpu.memory_space<vmem>>) target(%dma_start3A_126 : memref<50x64xf32, #tpu.memory_space<hbm>>) target_semaphore(%run_scoped3A : memref<!tpu.dma_semaphore, #tpu.memory_space<semaphore_mem>>)
      %dma_wait3A_130 = arith.constant 0 : i32
      %dma_wait3A_131 = arith.constant 0 : i32
      %dma_wait3A_132 = tpu.memref_slice %arg6[%dma_wait3A_130, %dma_wait3A_131] : memref<200x128xf32, #tpu.memory_space<vmem>> -> memref<50x64xf32, #tpu.memory_space<vmem>>
      %dma_wait3A_133 = arith.constant 0 : i32
      %dma_wait3A_134 = arith.constant 0 : i32
      %dma_wait3A_135 = tpu.memref_slice %arg4[%add3A_37, %dma_wait3A_133, %dma_wait3A_134] : memref<16384x56x128xf32, #tpu.memory_space<hbm>> -> memref<1x50x64xf32, #tpu.memory_space<hbm>>
      %dma_wait3A_136 = tpu.memref_squeeze %dma_wait3A_135 : memref<1x50x64xf32, #tpu.memory_space<hbm>> -> memref<50x64xf32, #tpu.memory_space<hbm>>
      %dma_wait3A_137 = arith.constant 0 : i32
      %dma_wait3A_138 = arith.constant 0 : i32
      %dma_wait3A_139 = tpu.memref_slice %arg4[%add3A_37, %dma_wait3A_137, %dma_wait3A_138] : memref<16384x56x128xf32, #tpu.memory_space<hbm>> -> memref<1x50x64xf32, #tpu.memory_space<hbm>>
      %dma_wait3A_140 = tpu.memref_squeeze %dma_wait3A_139 : memref<1x50x64xf32, #tpu.memory_space<hbm>> -> memref<50x64xf32, #tpu.memory_space<hbm>>
      %dma_wait3A_141 = arith.constant 0 : i32
      %dma_wait3A_142 = arith.constant 0 : i32
      %dma_wait3A_143 = tpu.memref_slice %arg6[%dma_wait3A_141, %dma_wait3A_142] : memref<200x128xf32, #tpu.memory_space<vmem>> -> memref<50x64xf32, #tpu.memory_space<vmem>>
      tpu.wait_dma2 semaphore(%run_scoped3A : memref<!tpu.dma_semaphore, #tpu.memory_space<semaphore_mem>>) src(%dma_wait3A_143 : memref<50x64xf32, #tpu.memory_space<vmem>>) dst(%dma_wait3A_140 : memref<50x64xf32, #tpu.memory_space<hbm>>)
      tpu.yield
    }) : () -> ()
    %add3A_38 = arith.constant 496 : i32
    %add3A_39 = arith.addi %mul3A_2, %add3A_38 : i32
    %add3A_40 = arith.constant 1 : i32
    %add3A_41 = arith.addi %add3A_39, %add3A_40 : i32
    "tpu.region"() ({
      %run_scoped3A = tpu.sem_alloc : memref<!tpu.dma_semaphore, #tpu.memory_space<semaphore_mem>>
      %dma_start3A_116 = arith.constant 50 : i32
      %dma_start3A_117 = arith.constant 0 : i32
      %dma_start3A_118 = tpu.memref_slice %arg6[%dma_start3A_116, %dma_start3A_117] : memref<200x128xf32, #tpu.memory_space<vmem>> -> memref<50x64xf32, #tpu.memory_space<vmem>>
      %dma_start3A_119 = arith.constant 0 : i32
      %dma_start3A_120 = arith.constant 0 : i32
      %dma_start3A_121 = tpu.memref_slice %arg4[%add3A_41, %dma_start3A_119, %dma_start3A_120] : memref<16384x56x128xf32, #tpu.memory_space<hbm>> -> memref<1x50x64xf32, #tpu.memory_space<hbm>>
      %dma_start3A_122 = tpu.memref_squeeze %dma_start3A_121 : memref<1x50x64xf32, #tpu.memory_space<hbm>> -> memref<50x64xf32, #tpu.memory_space<hbm>>
      %dma_start3A_123 = arith.constant 0 : i32
      %dma_start3A_124 = arith.constant 0 : i32
      %dma_start3A_125 = tpu.memref_slice %arg4[%add3A_41, %dma_start3A_123, %dma_start3A_124] : memref<16384x56x128xf32, #tpu.memory_space<hbm>> -> memref<1x50x64xf32, #tpu.memory_space<hbm>>
      %dma_start3A_126 = tpu.memref_squeeze %dma_start3A_125 : memref<1x50x64xf32, #tpu.memory_space<hbm>> -> memref<50x64xf32, #tpu.memory_space<hbm>>
      %dma_start3A_127 = arith.constant 50 : i32
      %dma_start3A_128 = arith.constant 0 : i32
      %dma_start3A_129 = tpu.memref_slice %arg6[%dma_start3A_127, %dma_start3A_128] : memref<200x128xf32, #tpu.memory_space<vmem>> -> memref<50x64xf32, #tpu.memory_space<vmem>>
      tpu.enqueue_dma source(%dma_start3A_129 : memref<50x64xf32, #tpu.memory_space<vmem>>) target(%dma_start3A_126 : memref<50x64xf32, #tpu.memory_space<hbm>>) target_semaphore(%run_scoped3A : memref<!tpu.dma_semaphore, #tpu.memory_space<semaphore_mem>>)
      %dma_wait3A_130 = arith.constant 50 : i32
      %dma_wait3A_131 = arith.constant 0 : i32
      %dma_wait3A_132 = tpu.memref_slice %arg6[%dma_wait3A_130, %dma_wait3A_131] : memref<200x128xf32, #tpu.memory_space<vmem>> -> memref<50x64xf32, #tpu.memory_space<vmem>>
      %dma_wait3A_133 = arith.constant 0 : i32
      %dma_wait3A_134 = arith.constant 0 : i32
      %dma_wait3A_135 = tpu.memref_slice %arg4[%add3A_41, %dma_wait3A_133, %dma_wait3A_134] : memref<16384x56x128xf32, #tpu.memory_space<hbm>> -> memref<1x50x64xf32, #tpu.memory_space<hbm>>
      %dma_wait3A_136 = tpu.memref_squeeze %dma_wait3A_135 : memref<1x50x64xf32, #tpu.memory_space<hbm>> -> memref<50x64xf32, #tpu.memory_space<hbm>>
      %dma_wait3A_137 = arith.constant 0 : i32
      %dma_wait3A_138 = arith.constant 0 : i32
      %dma_wait3A_139 = tpu.memref_slice %arg4[%add3A_41, %dma_wait3A_137, %dma_wait3A_138] : memref<16384x56x128xf32, #tpu.memory_space<hbm>> -> memref<1x50x64xf32, #tpu.memory_space<hbm>>
      %dma_wait3A_140 = tpu.memref_squeeze %dma_wait3A_139 : memref<1x50x64xf32, #tpu.memory_space<hbm>> -> memref<50x64xf32, #tpu.memory_space<hbm>>
      %dma_wait3A_141 = arith.constant 50 : i32
      %dma_wait3A_142 = arith.constant 0 : i32
      %dma_wait3A_143 = tpu.memref_slice %arg6[%dma_wait3A_141, %dma_wait3A_142] : memref<200x128xf32, #tpu.memory_space<vmem>> -> memref<50x64xf32, #tpu.memory_space<vmem>>
      tpu.wait_dma2 semaphore(%run_scoped3A : memref<!tpu.dma_semaphore, #tpu.memory_space<semaphore_mem>>) src(%dma_wait3A_143 : memref<50x64xf32, #tpu.memory_space<vmem>>) dst(%dma_wait3A_140 : memref<50x64xf32, #tpu.memory_space<hbm>>)
      tpu.yield
    }) : () -> ()
    %add3A_42 = arith.constant 496 : i32
    %add3A_43 = arith.addi %mul3A_2, %add3A_42 : i32
    %add3A_44 = arith.constant 2 : i32
    %add3A_45 = arith.addi %add3A_43, %add3A_44 : i32
    "tpu.region"() ({
      %run_scoped3A = tpu.sem_alloc : memref<!tpu.dma_semaphore, #tpu.memory_space<semaphore_mem>>
      %dma_start3A_116 = arith.constant 100 : i32
      %dma_start3A_117 = arith.constant 0 : i32
      %dma_start3A_118 = tpu.memref_slice %arg6[%dma_start3A_116, %dma_start3A_117] : memref<200x128xf32, #tpu.memory_space<vmem>> -> memref<50x64xf32, #tpu.memory_space<vmem>>
      %dma_start3A_119 = arith.constant 0 : i32
      %dma_start3A_120 = arith.constant 0 : i32
      %dma_start3A_121 = tpu.memref_slice %arg4[%add3A_45, %dma_start3A_119, %dma_start3A_120] : memref<16384x56x128xf32, #tpu.memory_space<hbm>> -> memref<1x50x64xf32, #tpu.memory_space<hbm>>
      %dma_start3A_122 = tpu.memref_squeeze %dma_start3A_121 : memref<1x50x64xf32, #tpu.memory_space<hbm>> -> memref<50x64xf32, #tpu.memory_space<hbm>>
      %dma_start3A_123 = arith.constant 0 : i32
      %dma_start3A_124 = arith.constant 0 : i32
      %dma_start3A_125 = tpu.memref_slice %arg4[%add3A_45, %dma_start3A_123, %dma_start3A_124] : memref<16384x56x128xf32, #tpu.memory_space<hbm>> -> memref<1x50x64xf32, #tpu.memory_space<hbm>>
      %dma_start3A_126 = tpu.memref_squeeze %dma_start3A_125 : memref<1x50x64xf32, #tpu.memory_space<hbm>> -> memref<50x64xf32, #tpu.memory_space<hbm>>
      %dma_start3A_127 = arith.constant 100 : i32
      %dma_start3A_128 = arith.constant 0 : i32
      %dma_start3A_129 = tpu.memref_slice %arg6[%dma_start3A_127, %dma_start3A_128] : memref<200x128xf32, #tpu.memory_space<vmem>> -> memref<50x64xf32, #tpu.memory_space<vmem>>
      tpu.enqueue_dma source(%dma_start3A_129 : memref<50x64xf32, #tpu.memory_space<vmem>>) target(%dma_start3A_126 : memref<50x64xf32, #tpu.memory_space<hbm>>) target_semaphore(%run_scoped3A : memref<!tpu.dma_semaphore, #tpu.memory_space<semaphore_mem>>)
      %dma_wait3A_130 = arith.constant 100 : i32
      %dma_wait3A_131 = arith.constant 0 : i32
      %dma_wait3A_132 = tpu.memref_slice %arg6[%dma_wait3A_130, %dma_wait3A_131] : memref<200x128xf32, #tpu.memory_space<vmem>> -> memref<50x64xf32, #tpu.memory_space<vmem>>
      %dma_wait3A_133 = arith.constant 0 : i32
      %dma_wait3A_134 = arith.constant 0 : i32
      %dma_wait3A_135 = tpu.memref_slice %arg4[%add3A_45, %dma_wait3A_133, %dma_wait3A_134] : memref<16384x56x128xf32, #tpu.memory_space<hbm>> -> memref<1x50x64xf32, #tpu.memory_space<hbm>>
      %dma_wait3A_136 = tpu.memref_squeeze %dma_wait3A_135 : memref<1x50x64xf32, #tpu.memory_space<hbm>> -> memref<50x64xf32, #tpu.memory_space<hbm>>
      %dma_wait3A_137 = arith.constant 0 : i32
      %dma_wait3A_138 = arith.constant 0 : i32
      %dma_wait3A_139 = tpu.memref_slice %arg4[%add3A_45, %dma_wait3A_137, %dma_wait3A_138] : memref<16384x56x128xf32, #tpu.memory_space<hbm>> -> memref<1x50x64xf32, #tpu.memory_space<hbm>>
      %dma_wait3A_140 = tpu.memref_squeeze %dma_wait3A_139 : memref<1x50x64xf32, #tpu.memory_space<hbm>> -> memref<50x64xf32, #tpu.memory_space<hbm>>
      %dma_wait3A_141 = arith.constant 100 : i32
      %dma_wait3A_142 = arith.constant 0 : i32
      %dma_wait3A_143 = tpu.memref_slice %arg6[%dma_wait3A_141, %dma_wait3A_142] : memref<200x128xf32, #tpu.memory_space<vmem>> -> memref<50x64xf32, #tpu.memory_space<vmem>>
      tpu.wait_dma2 semaphore(%run_scoped3A : memref<!tpu.dma_semaphore, #tpu.memory_space<semaphore_mem>>) src(%dma_wait3A_143 : memref<50x64xf32, #tpu.memory_space<vmem>>) dst(%dma_wait3A_140 : memref<50x64xf32, #tpu.memory_space<hbm>>)
      tpu.yield
    }) : () -> ()
    %add3A_46 = arith.constant 496 : i32
    %add3A_47 = arith.addi %mul3A_2, %add3A_46 : i32
    %add3A_48 = arith.constant 3 : i32
    %add3A_49 = arith.addi %add3A_47, %add3A_48 : i32
    "tpu.region"() ({
      %run_scoped3A = tpu.sem_alloc : memref<!tpu.dma_semaphore, #tpu.memory_space<semaphore_mem>>
      %dma_start3A_116 = arith.constant 150 : i32
      %dma_start3A_117 = arith.constant 0 : i32
      %dma_start3A_118 = tpu.memref_slice %arg6[%dma_start3A_116, %dma_start3A_117] : memref<200x128xf32, #tpu.memory_space<vmem>> -> memref<50x64xf32, #tpu.memory_space<vmem>>
      %dma_start3A_119 = arith.constant 0 : i32
      %dma_start3A_120 = arith.constant 0 : i32
      %dma_start3A_121 = tpu.memref_slice %arg4[%add3A_49, %dma_start3A_119, %dma_start3A_120] : memref<16384x56x128xf32, #tpu.memory_space<hbm>> -> memref<1x50x64xf32, #tpu.memory_space<hbm>>
      %dma_start3A_122 = tpu.memref_squeeze %dma_start3A_121 : memref<1x50x64xf32, #tpu.memory_space<hbm>> -> memref<50x64xf32, #tpu.memory_space<hbm>>
      %dma_start3A_123 = arith.constant 0 : i32
      %dma_start3A_124 = arith.constant 0 : i32
      %dma_start3A_125 = tpu.memref_slice %arg4[%add3A_49, %dma_start3A_123, %dma_start3A_124] : memref<16384x56x128xf32, #tpu.memory_space<hbm>> -> memref<1x50x64xf32, #tpu.memory_space<hbm>>
      %dma_start3A_126 = tpu.memref_squeeze %dma_start3A_125 : memref<1x50x64xf32, #tpu.memory_space<hbm>> -> memref<50x64xf32, #tpu.memory_space<hbm>>
      %dma_start3A_127 = arith.constant 150 : i32
      %dma_start3A_128 = arith.constant 0 : i32
      %dma_start3A_129 = tpu.memref_slice %arg6[%dma_start3A_127, %dma_start3A_128] : memref<200x128xf32, #tpu.memory_space<vmem>> -> memref<50x64xf32, #tpu.memory_space<vmem>>
      tpu.enqueue_dma source(%dma_start3A_129 : memref<50x64xf32, #tpu.memory_space<vmem>>) target(%dma_start3A_126 : memref<50x64xf32, #tpu.memory_space<hbm>>) target_semaphore(%run_scoped3A : memref<!tpu.dma_semaphore, #tpu.memory_space<semaphore_mem>>)
      %dma_wait3A_130 = arith.constant 150 : i32
      %dma_wait3A_131 = arith.constant 0 : i32
      %dma_wait3A_132 = tpu.memref_slice %arg6[%dma_wait3A_130, %dma_wait3A_131] : memref<200x128xf32, #tpu.memory_space<vmem>> -> memref<50x64xf32, #tpu.memory_space<vmem>>
      %dma_wait3A_133 = arith.constant 0 : i32
      %dma_wait3A_134 = arith.constant 0 : i32
      %dma_wait3A_135 = tpu.memref_slice %arg4[%add3A_49, %dma_wait3A_133, %dma_wait3A_134] : memref<16384x56x128xf32, #tpu.memory_space<hbm>> -> memref<1x50x64xf32, #tpu.memory_space<hbm>>
      %dma_wait3A_136 = tpu.memref_squeeze %dma_wait3A_135 : memref<1x50x64xf32, #tpu.memory_space<hbm>> -> memref<50x64xf32, #tpu.memory_space<hbm>>
      %dma_wait3A_137 = arith.constant 0 : i32
      %dma_wait3A_138 = arith.constant 0 : i32
      %dma_wait3A_139 = tpu.memref_slice %arg4[%add3A_49, %dma_wait3A_137, %dma_wait3A_138] : memref<16384x56x128xf32, #tpu.memory_space<hbm>> -> memref<1x50x64xf32, #tpu.memory_space<hbm>>
      %dma_wait3A_140 = tpu.memref_squeeze %dma_wait3A_139 : memref<1x50x64xf32, #tpu.memory_space<hbm>> -> memref<50x64xf32, #tpu.memory_space<hbm>>
      %dma_wait3A_141 = arith.constant 150 : i32
      %dma_wait3A_142 = arith.constant 0 : i32
      %dma_wait3A_143 = tpu.memref_slice %arg6[%dma_wait3A_141, %dma_wait3A_142] : memref<200x128xf32, #tpu.memory_space<vmem>> -> memref<50x64xf32, #tpu.memory_space<vmem>>
      tpu.wait_dma2 semaphore(%run_scoped3A : memref<!tpu.dma_semaphore, #tpu.memory_space<semaphore_mem>>) src(%dma_wait3A_143 : memref<50x64xf32, #tpu.memory_space<vmem>>) dst(%dma_wait3A_140 : memref<50x64xf32, #tpu.memory_space<hbm>>)
      tpu.yield
    }) : () -> ()
    %dma_wait3A_50 = arith.constant 0 : i32
    %dma_wait3A_51 = arith.constant 0 : i32
    %dma_wait3A_52 = tpu.memref_slice %arg3[%dma_wait3A_50, %dma_wait3A_51] : memref<1000000x128xf32, #tpu.memory_space<hbm>> -> memref<200x128xf32, #tpu.memory_space<hbm>>
    %dma_wait3A_53 = arith.constant 0 : i32
    %dma_wait3A_54 = arith.constant 0 : i32
    %dma_wait3A_55 = tpu.memref_slice %arg3[%dma_wait3A_53, %dma_wait3A_54] : memref<1000000x128xf32, #tpu.memory_space<hbm>> -> memref<200x128xf32, #tpu.memory_space<hbm>>
    tpu.wait_dma2 semaphore(%arg11 : memref<!tpu.dma_semaphore, #tpu.memory_space<semaphore_mem>>) src(%dma_wait3A_55 : memref<200x128xf32, #tpu.memory_space<hbm>>) dst(%arg7 : memref<200x128xf32, #tpu.memory_space<vmem>>)
    %add3A_56 = arith.constant 500 : i32
    %add3A_57 = arith.addi %mul3A_2, %add3A_56 : i32
    %add3A_58 = arith.constant 0 : i32
    %add3A_59 = arith.addi %add3A_57, %add3A_58 : i32
    "tpu.region"() ({
      %run_scoped3A = tpu.sem_alloc : memref<!tpu.dma_semaphore, #tpu.memory_space<semaphore_mem>>
      %dma_start3A_116 = arith.constant 0 : i32
      %dma_start3A_117 = arith.constant 0 : i32
      %dma_start3A_118 = tpu.memref_slice %arg7[%dma_start3A_116, %dma_start3A_117] : memref<200x128xf32, #tpu.memory_space<vmem>> -> memref<50x64xf32, #tpu.memory_space<vmem>>
      %dma_start3A_119 = arith.constant 0 : i32
      %dma_start3A_120 = arith.constant 0 : i32
      %dma_start3A_121 = tpu.memref_slice %arg4[%add3A_59, %dma_start3A_119, %dma_start3A_120] : memref<16384x56x128xf32, #tpu.memory_space<hbm>> -> memref<1x50x64xf32, #tpu.memory_space<hbm>>
      %dma_start3A_122 = tpu.memref_squeeze %dma_start3A_121 : memref<1x50x64xf32, #tpu.memory_space<hbm>> -> memref<50x64xf32, #tpu.memory_space<hbm>>
      %dma_start3A_123 = arith.constant 0 : i32
      %dma_start3A_124 = arith.constant 0 : i32
      %dma_start3A_125 = tpu.memref_slice %arg4[%add3A_59, %dma_start3A_123, %dma_start3A_124] : memref<16384x56x128xf32, #tpu.memory_space<hbm>> -> memref<1x50x64xf32, #tpu.memory_space<hbm>>
      %dma_start3A_126 = tpu.memref_squeeze %dma_start3A_125 : memref<1x50x64xf32, #tpu.memory_space<hbm>> -> memref<50x64xf32, #tpu.memory_space<hbm>>
      %dma_start3A_127 = arith.constant 0 : i32
      %dma_start3A_128 = arith.constant 0 : i32
      %dma_start3A_129 = tpu.memref_slice %arg7[%dma_start3A_127, %dma_start3A_128] : memref<200x128xf32, #tpu.memory_space<vmem>> -> memref<50x64xf32, #tpu.memory_space<vmem>>
      tpu.enqueue_dma source(%dma_start3A_129 : memref<50x64xf32, #tpu.memory_space<vmem>>) target(%dma_start3A_126 : memref<50x64xf32, #tpu.memory_space<hbm>>) target_semaphore(%run_scoped3A : memref<!tpu.dma_semaphore, #tpu.memory_space<semaphore_mem>>)
      %dma_wait3A_130 = arith.constant 0 : i32
      %dma_wait3A_131 = arith.constant 0 : i32
      %dma_wait3A_132 = tpu.memref_slice %arg7[%dma_wait3A_130, %dma_wait3A_131] : memref<200x128xf32, #tpu.memory_space<vmem>> -> memref<50x64xf32, #tpu.memory_space<vmem>>
      %dma_wait3A_133 = arith.constant 0 : i32
      %dma_wait3A_134 = arith.constant 0 : i32
      %dma_wait3A_135 = tpu.memref_slice %arg4[%add3A_59, %dma_wait3A_133, %dma_wait3A_134] : memref<16384x56x128xf32, #tpu.memory_space<hbm>> -> memref<1x50x64xf32, #tpu.memory_space<hbm>>
      %dma_wait3A_136 = tpu.memref_squeeze %dma_wait3A_135 : memref<1x50x64xf32, #tpu.memory_space<hbm>> -> memref<50x64xf32, #tpu.memory_space<hbm>>
      %dma_wait3A_137 = arith.constant 0 : i32
      %dma_wait3A_138 = arith.constant 0 : i32
      %dma_wait3A_139 = tpu.memref_slice %arg4[%add3A_59, %dma_wait3A_137, %dma_wait3A_138] : memref<16384x56x128xf32, #tpu.memory_space<hbm>> -> memref<1x50x64xf32, #tpu.memory_space<hbm>>
      %dma_wait3A_140 = tpu.memref_squeeze %dma_wait3A_139 : memref<1x50x64xf32, #tpu.memory_space<hbm>> -> memref<50x64xf32, #tpu.memory_space<hbm>>
      %dma_wait3A_141 = arith.constant 0 : i32
      %dma_wait3A_142 = arith.constant 0 : i32
      %dma_wait3A_143 = tpu.memref_slice %arg7[%dma_wait3A_141, %dma_wait3A_142] : memref<200x128xf32, #tpu.memory_space<vmem>> -> memref<50x64xf32, #tpu.memory_space<vmem>>
      tpu.wait_dma2 semaphore(%run_scoped3A : memref<!tpu.dma_semaphore, #tpu.memory_space<semaphore_mem>>) src(%dma_wait3A_143 : memref<50x64xf32, #tpu.memory_space<vmem>>) dst(%dma_wait3A_140 : memref<50x64xf32, #tpu.memory_space<hbm>>)
      tpu.yield
    }) : () -> ()
    %add3A_60 = arith.constant 500 : i32
    %add3A_61 = arith.addi %mul3A_2, %add3A_60 : i32
    %add3A_62 = arith.constant 1 : i32
    %add3A_63 = arith.addi %add3A_61, %add3A_62 : i32
    "tpu.region"() ({
      %run_scoped3A = tpu.sem_alloc : memref<!tpu.dma_semaphore, #tpu.memory_space<semaphore_mem>>
      %dma_start3A_116 = arith.constant 50 : i32
      %dma_start3A_117 = arith.constant 0 : i32
      %dma_start3A_118 = tpu.memref_slice %arg7[%dma_start3A_116, %dma_start3A_117] : memref<200x128xf32, #tpu.memory_space<vmem>> -> memref<50x64xf32, #tpu.memory_space<vmem>>
      %dma_start3A_119 = arith.constant 0 : i32
      %dma_start3A_120 = arith.constant 0 : i32
      %dma_start3A_121 = tpu.memref_slice %arg4[%add3A_63, %dma_start3A_119, %dma_start3A_120] : memref<16384x56x128xf32, #tpu.memory_space<hbm>> -> memref<1x50x64xf32, #tpu.memory_space<hbm>>
      %dma_start3A_122 = tpu.memref_squeeze %dma_start3A_121 : memref<1x50x64xf32, #tpu.memory_space<hbm>> -> memref<50x64xf32, #tpu.memory_space<hbm>>
      %dma_start3A_123 = arith.constant 0 : i32
      %dma_start3A_124 = arith.constant 0 : i32
      %dma_start3A_125 = tpu.memref_slice %arg4[%add3A_63, %dma_start3A_123, %dma_start3A_124] : memref<16384x56x128xf32, #tpu.memory_space<hbm>> -> memref<1x50x64xf32, #tpu.memory_space<hbm>>
      %dma_start3A_126 = tpu.memref_squeeze %dma_start3A_125 : memref<1x50x64xf32, #tpu.memory_space<hbm>> -> memref<50x64xf32, #tpu.memory_space<hbm>>
      %dma_start3A_127 = arith.constant 50 : i32
      %dma_start3A_128 = arith.constant 0 : i32
      %dma_start3A_129 = tpu.memref_slice %arg7[%dma_start3A_127, %dma_start3A_128] : memref<200x128xf32, #tpu.memory_space<vmem>> -> memref<50x64xf32, #tpu.memory_space<vmem>>
      tpu.enqueue_dma source(%dma_start3A_129 : memref<50x64xf32, #tpu.memory_space<vmem>>) target(%dma_start3A_126 : memref<50x64xf32, #tpu.memory_space<hbm>>) target_semaphore(%run_scoped3A : memref<!tpu.dma_semaphore, #tpu.memory_space<semaphore_mem>>)
      %dma_wait3A_130 = arith.constant 50 : i32
      %dma_wait3A_131 = arith.constant 0 : i32
      %dma_wait3A_132 = tpu.memref_slice %arg7[%dma_wait3A_130, %dma_wait3A_131] : memref<200x128xf32, #tpu.memory_space<vmem>> -> memref<50x64xf32, #tpu.memory_space<vmem>>
      %dma_wait3A_133 = arith.constant 0 : i32
      %dma_wait3A_134 = arith.constant 0 : i32
      %dma_wait3A_135 = tpu.memref_slice %arg4[%add3A_63, %dma_wait3A_133, %dma_wait3A_134] : memref<16384x56x128xf32, #tpu.memory_space<hbm>> -> memref<1x50x64xf32, #tpu.memory_space<hbm>>
      %dma_wait3A_136 = tpu.memref_squeeze %dma_wait3A_135 : memref<1x50x64xf32, #tpu.memory_space<hbm>> -> memref<50x64xf32, #tpu.memory_space<hbm>>
      %dma_wait3A_137 = arith.constant 0 : i32
      %dma_wait3A_138 = arith.constant 0 : i32
      %dma_wait3A_139 = tpu.memref_slice %arg4[%add3A_63, %dma_wait3A_137, %dma_wait3A_138] : memref<16384x56x128xf32, #tpu.memory_space<hbm>> -> memref<1x50x64xf32, #tpu.memory_space<hbm>>
      %dma_wait3A_140 = tpu.memref_squeeze %dma_wait3A_139 : memref<1x50x64xf32, #tpu.memory_space<hbm>> -> memref<50x64xf32, #tpu.memory_space<hbm>>
      %dma_wait3A_141 = arith.constant 50 : i32
      %dma_wait3A_142 = arith.constant 0 : i32
      %dma_wait3A_143 = tpu.memref_slice %arg7[%dma_wait3A_141, %dma_wait3A_142] : memref<200x128xf32, #tpu.memory_space<vmem>> -> memref<50x64xf32, #tpu.memory_space<vmem>>
      tpu.wait_dma2 semaphore(%run_scoped3A : memref<!tpu.dma_semaphore, #tpu.memory_space<semaphore_mem>>) src(%dma_wait3A_143 : memref<50x64xf32, #tpu.memory_space<vmem>>) dst(%dma_wait3A_140 : memref<50x64xf32, #tpu.memory_space<hbm>>)
      tpu.yield
    }) : () -> ()
    %add3A_64 = arith.constant 500 : i32
    %add3A_65 = arith.addi %mul3A_2, %add3A_64 : i32
    %add3A_66 = arith.constant 2 : i32
    %add3A_67 = arith.addi %add3A_65, %add3A_66 : i32
    "tpu.region"() ({
      %run_scoped3A = tpu.sem_alloc : memref<!tpu.dma_semaphore, #tpu.memory_space<semaphore_mem>>
      %dma_start3A_116 = arith.constant 100 : i32
      %dma_start3A_117 = arith.constant 0 : i32
      %dma_start3A_118 = tpu.memref_slice %arg7[%dma_start3A_116, %dma_start3A_117] : memref<200x128xf32, #tpu.memory_space<vmem>> -> memref<50x64xf32, #tpu.memory_space<vmem>>
      %dma_start3A_119 = arith.constant 0 : i32
      %dma_start3A_120 = arith.constant 0 : i32
      %dma_start3A_121 = tpu.memref_slice %arg4[%add3A_67, %dma_start3A_119, %dma_start3A_120] : memref<16384x56x128xf32, #tpu.memory_space<hbm>> -> memref<1x50x64xf32, #tpu.memory_space<hbm>>
      %dma_start3A_122 = tpu.memref_squeeze %dma_start3A_121 : memref<1x50x64xf32, #tpu.memory_space<hbm>> -> memref<50x64xf32, #tpu.memory_space<hbm>>
      %dma_start3A_123 = arith.constant 0 : i32
      %dma_start3A_124 = arith.constant 0 : i32
      %dma_start3A_125 = tpu.memref_slice %arg4[%add3A_67, %dma_start3A_123, %dma_start3A_124] : memref<16384x56x128xf32, #tpu.memory_space<hbm>> -> memref<1x50x64xf32, #tpu.memory_space<hbm>>
      %dma_start3A_126 = tpu.memref_squeeze %dma_start3A_125 : memref<1x50x64xf32, #tpu.memory_space<hbm>> -> memref<50x64xf32, #tpu.memory_space<hbm>>
      %dma_start3A_127 = arith.constant 100 : i32
      %dma_start3A_128 = arith.constant 0 : i32
      %dma_start3A_129 = tpu.memref_slice %arg7[%dma_start3A_127, %dma_start3A_128] : memref<200x128xf32, #tpu.memory_space<vmem>> -> memref<50x64xf32, #tpu.memory_space<vmem>>
      tpu.enqueue_dma source(%dma_start3A_129 : memref<50x64xf32, #tpu.memory_space<vmem>>) target(%dma_start3A_126 : memref<50x64xf32, #tpu.memory_space<hbm>>) target_semaphore(%run_scoped3A : memref<!tpu.dma_semaphore, #tpu.memory_space<semaphore_mem>>)
      %dma_wait3A_130 = arith.constant 100 : i32
      %dma_wait3A_131 = arith.constant 0 : i32
      %dma_wait3A_132 = tpu.memref_slice %arg7[%dma_wait3A_130, %dma_wait3A_131] : memref<200x128xf32, #tpu.memory_space<vmem>> -> memref<50x64xf32, #tpu.memory_space<vmem>>
      %dma_wait3A_133 = arith.constant 0 : i32
      %dma_wait3A_134 = arith.constant 0 : i32
      %dma_wait3A_135 = tpu.memref_slice %arg4[%add3A_67, %dma_wait3A_133, %dma_wait3A_134] : memref<16384x56x128xf32, #tpu.memory_space<hbm>> -> memref<1x50x64xf32, #tpu.memory_space<hbm>>
      %dma_wait3A_136 = tpu.memref_squeeze %dma_wait3A_135 : memref<1x50x64xf32, #tpu.memory_space<hbm>> -> memref<50x64xf32, #tpu.memory_space<hbm>>
      %dma_wait3A_137 = arith.constant 0 : i32
      %dma_wait3A_138 = arith.constant 0 : i32
      %dma_wait3A_139 = tpu.memref_slice %arg4[%add3A_67, %dma_wait3A_137, %dma_wait3A_138] : memref<16384x56x128xf32, #tpu.memory_space<hbm>> -> memref<1x50x64xf32, #tpu.memory_space<hbm>>
      %dma_wait3A_140 = tpu.memref_squeeze %dma_wait3A_139 : memref<1x50x64xf32, #tpu.memory_space<hbm>> -> memref<50x64xf32, #tpu.memory_space<hbm>>
      %dma_wait3A_141 = arith.constant 100 : i32
      %dma_wait3A_142 = arith.constant 0 : i32
      %dma_wait3A_143 = tpu.memref_slice %arg7[%dma_wait3A_141, %dma_wait3A_142] : memref<200x128xf32, #tpu.memory_space<vmem>> -> memref<50x64xf32, #tpu.memory_space<vmem>>
      tpu.wait_dma2 semaphore(%run_scoped3A : memref<!tpu.dma_semaphore, #tpu.memory_space<semaphore_mem>>) src(%dma_wait3A_143 : memref<50x64xf32, #tpu.memory_space<vmem>>) dst(%dma_wait3A_140 : memref<50x64xf32, #tpu.memory_space<hbm>>)
      tpu.yield
    }) : () -> ()
    %add3A_68 = arith.constant 500 : i32
    %add3A_69 = arith.addi %mul3A_2, %add3A_68 : i32
    %add3A_70 = arith.constant 3 : i32
    %add3A_71 = arith.addi %add3A_69, %add3A_70 : i32
    "tpu.region"() ({
      %run_scoped3A = tpu.sem_alloc : memref<!tpu.dma_semaphore, #tpu.memory_space<semaphore_mem>>
      %dma_start3A_116 = arith.constant 150 : i32
      %dma_start3A_117 = arith.constant 0 : i32
      %dma_start3A_118 = tpu.memref_slice %arg7[%dma_start3A_116, %dma_start3A_117] : memref<200x128xf32, #tpu.memory_space<vmem>> -> memref<50x64xf32, #tpu.memory_space<vmem>>
      %dma_start3A_119 = arith.constant 0 : i32
      %dma_start3A_120 = arith.constant 0 : i32
      %dma_start3A_121 = tpu.memref_slice %arg4[%add3A_71, %dma_start3A_119, %dma_start3A_120] : memref<16384x56x128xf32, #tpu.memory_space<hbm>> -> memref<1x50x64xf32, #tpu.memory_space<hbm>>
      %dma_start3A_122 = tpu.memref_squeeze %dma_start3A_121 : memref<1x50x64xf32, #tpu.memory_space<hbm>> -> memref<50x64xf32, #tpu.memory_space<hbm>>
      %dma_start3A_123 = arith.constant 0 : i32
      %dma_start3A_124 = arith.constant 0 : i32
      %dma_start3A_125 = tpu.memref_slice %arg4[%add3A_71, %dma_start3A_123, %dma_start3A_124] : memref<16384x56x128xf32, #tpu.memory_space<hbm>> -> memref<1x50x64xf32, #tpu.memory_space<hbm>>
      %dma_start3A_126 = tpu.memref_squeeze %dma_start3A_125 : memref<1x50x64xf32, #tpu.memory_space<hbm>> -> memref<50x64xf32, #tpu.memory_space<hbm>>
      %dma_start3A_127 = arith.constant 150 : i32
      %dma_start3A_128 = arith.constant 0 : i32
      %dma_start3A_129 = tpu.memref_slice %arg7[%dma_start3A_127, %dma_start3A_128] : memref<200x128xf32, #tpu.memory_space<vmem>> -> memref<50x64xf32, #tpu.memory_space<vmem>>
      tpu.enqueue_dma source(%dma_start3A_129 : memref<50x64xf32, #tpu.memory_space<vmem>>) target(%dma_start3A_126 : memref<50x64xf32, #tpu.memory_space<hbm>>) target_semaphore(%run_scoped3A : memref<!tpu.dma_semaphore, #tpu.memory_space<semaphore_mem>>)
      %dma_wait3A_130 = arith.constant 150 : i32
      %dma_wait3A_131 = arith.constant 0 : i32
      %dma_wait3A_132 = tpu.memref_slice %arg7[%dma_wait3A_130, %dma_wait3A_131] : memref<200x128xf32, #tpu.memory_space<vmem>> -> memref<50x64xf32, #tpu.memory_space<vmem>>
      %dma_wait3A_133 = arith.constant 0 : i32
      %dma_wait3A_134 = arith.constant 0 : i32
      %dma_wait3A_135 = tpu.memref_slice %arg4[%add3A_71, %dma_wait3A_133, %dma_wait3A_134] : memref<16384x56x128xf32, #tpu.memory_space<hbm>> -> memref<1x50x64xf32, #tpu.memory_space<hbm>>
      %dma_wait3A_136 = tpu.memref_squeeze %dma_wait3A_135 : memref<1x50x64xf32, #tpu.memory_space<hbm>> -> memref<50x64xf32, #tpu.memory_space<hbm>>
      %dma_wait3A_137 = arith.constant 0 : i32
      %dma_wait3A_138 = arith.constant 0 : i32
      %dma_wait3A_139 = tpu.memref_slice %arg4[%add3A_71, %dma_wait3A_137, %dma_wait3A_138] : memref<16384x56x128xf32, #tpu.memory_space<hbm>> -> memref<1x50x64xf32, #tpu.memory_space<hbm>>
      %dma_wait3A_140 = tpu.memref_squeeze %dma_wait3A_139 : memref<1x50x64xf32, #tpu.memory_space<hbm>> -> memref<50x64xf32, #tpu.memory_space<hbm>>
      %dma_wait3A_141 = arith.constant 150 : i32
      %dma_wait3A_142 = arith.constant 0 : i32
      %dma_wait3A_143 = tpu.memref_slice %arg7[%dma_wait3A_141, %dma_wait3A_142] : memref<200x128xf32, #tpu.memory_space<vmem>> -> memref<50x64xf32, #tpu.memory_space<vmem>>
      tpu.wait_dma2 semaphore(%run_scoped3A : memref<!tpu.dma_semaphore, #tpu.memory_space<semaphore_mem>>) src(%dma_wait3A_143 : memref<50x64xf32, #tpu.memory_space<vmem>>) dst(%dma_wait3A_140 : memref<50x64xf32, #tpu.memory_space<hbm>>)
      tpu.yield
    }) : () -> ()
    %dma_wait3A_72 = arith.constant 0 : i32
    %dma_wait3A_73 = arith.constant 0 : i32
    %dma_wait3A_74 = tpu.memref_slice %arg3[%dma_wait3A_72, %dma_wait3A_73] : memref<1000000x128xf32, #tpu.memory_space<hbm>> -> memref<200x128xf32, #tpu.memory_space<hbm>>
    %dma_wait3A_75 = arith.constant 0 : i32
    %dma_wait3A_76 = arith.constant 0 : i32
    %dma_wait3A_77 = tpu.memref_slice %arg3[%dma_wait3A_75, %dma_wait3A_76] : memref<1000000x128xf32, #tpu.memory_space<hbm>> -> memref<200x128xf32, #tpu.memory_space<hbm>>
    tpu.wait_dma2 semaphore(%arg12 : memref<!tpu.dma_semaphore, #tpu.memory_space<semaphore_mem>>) src(%dma_wait3A_77 : memref<200x128xf32, #tpu.memory_space<hbm>>) dst(%arg8 : memref<200x128xf32, #tpu.memory_space<vmem>>)
    %add3A_78 = arith.constant 504 : i32
    %add3A_79 = arith.addi %mul3A_2, %add3A_78 : i32
    %add3A_80 = arith.constant 0 : i32
    %add3A_81 = arith.addi %add3A_79, %add3A_80 : i32
    "tpu.region"() ({
      %run_scoped3A = tpu.sem_alloc : memref<!tpu.dma_semaphore, #tpu.memory_space<semaphore_mem>>
      %dma_start3A_116 = arith.constant 0 : i32
      %dma_start3A_117 = arith.constant 0 : i32
      %dma_start3A_118 = tpu.memref_slice %arg8[%dma_start3A_116, %dma_start3A_117] : memref<200x128xf32, #tpu.memory_space<vmem>> -> memref<50x64xf32, #tpu.memory_space<vmem>>
      %dma_start3A_119 = arith.constant 0 : i32
      %dma_start3A_120 = arith.constant 0 : i32
      %dma_start3A_121 = tpu.memref_slice %arg4[%add3A_81, %dma_start3A_119, %dma_start3A_120] : memref<16384x56x128xf32, #tpu.memory_space<hbm>> -> memref<1x50x64xf32, #tpu.memory_space<hbm>>
      %dma_start3A_122 = tpu.memref_squeeze %dma_start3A_121 : memref<1x50x64xf32, #tpu.memory_space<hbm>> -> memref<50x64xf32, #tpu.memory_space<hbm>>
      %dma_start3A_123 = arith.constant 0 : i32
      %dma_start3A_124 = arith.constant 0 : i32
      %dma_start3A_125 = tpu.memref_slice %arg4[%add3A_81, %dma_start3A_123, %dma_start3A_124] : memref<16384x56x128xf32, #tpu.memory_space<hbm>> -> memref<1x50x64xf32, #tpu.memory_space<hbm>>
      %dma_start3A_126 = tpu.memref_squeeze %dma_start3A_125 : memref<1x50x64xf32, #tpu.memory_space<hbm>> -> memref<50x64xf32, #tpu.memory_space<hbm>>
      %dma_start3A_127 = arith.constant 0 : i32
      %dma_start3A_128 = arith.constant 0 : i32
      %dma_start3A_129 = tpu.memref_slice %arg8[%dma_start3A_127, %dma_start3A_128] : memref<200x128xf32, #tpu.memory_space<vmem>> -> memref<50x64xf32, #tpu.memory_space<vmem>>
      tpu.enqueue_dma source(%dma_start3A_129 : memref<50x64xf32, #tpu.memory_space<vmem>>) target(%dma_start3A_126 : memref<50x64xf32, #tpu.memory_space<hbm>>) target_semaphore(%run_scoped3A : memref<!tpu.dma_semaphore, #tpu.memory_space<semaphore_mem>>)
      %dma_wait3A_130 = arith.constant 0 : i32
      %dma_wait3A_131 = arith.constant 0 : i32
      %dma_wait3A_132 = tpu.memref_slice %arg8[%dma_wait3A_130, %dma_wait3A_131] : memref<200x128xf32, #tpu.memory_space<vmem>> -> memref<50x64xf32, #tpu.memory_space<vmem>>
      %dma_wait3A_133 = arith.constant 0 : i32
      %dma_wait3A_134 = arith.constant 0 : i32
      %dma_wait3A_135 = tpu.memref_slice %arg4[%add3A_81, %dma_wait3A_133, %dma_wait3A_134] : memref<16384x56x128xf32, #tpu.memory_space<hbm>> -> memref<1x50x64xf32, #tpu.memory_space<hbm>>
      %dma_wait3A_136 = tpu.memref_squeeze %dma_wait3A_135 : memref<1x50x64xf32, #tpu.memory_space<hbm>> -> memref<50x64xf32, #tpu.memory_space<hbm>>
      %dma_wait3A_137 = arith.constant 0 : i32
      %dma_wait3A_138 = arith.constant 0 : i32
      %dma_wait3A_139 = tpu.memref_slice %arg4[%add3A_81, %dma_wait3A_137, %dma_wait3A_138] : memref<16384x56x128xf32, #tpu.memory_space<hbm>> -> memref<1x50x64xf32, #tpu.memory_space<hbm>>
      %dma_wait3A_140 = tpu.memref_squeeze %dma_wait3A_139 : memref<1x50x64xf32, #tpu.memory_space<hbm>> -> memref<50x64xf32, #tpu.memory_space<hbm>>
      %dma_wait3A_141 = arith.constant 0 : i32
      %dma_wait3A_142 = arith.constant 0 : i32
      %dma_wait3A_143 = tpu.memref_slice %arg8[%dma_wait3A_141, %dma_wait3A_142] : memref<200x128xf32, #tpu.memory_space<vmem>> -> memref<50x64xf32, #tpu.memory_space<vmem>>
      tpu.wait_dma2 semaphore(%run_scoped3A : memref<!tpu.dma_semaphore, #tpu.memory_space<semaphore_mem>>) src(%dma_wait3A_143 : memref<50x64xf32, #tpu.memory_space<vmem>>) dst(%dma_wait3A_140 : memref<50x64xf32, #tpu.memory_space<hbm>>)
      tpu.yield
    }) : () -> ()
    %add3A_82 = arith.constant 504 : i32
    %add3A_83 = arith.addi %mul3A_2, %add3A_82 : i32
    %add3A_84 = arith.constant 1 : i32
    %add3A_85 = arith.addi %add3A_83, %add3A_84 : i32
    "tpu.region"() ({
      %run_scoped3A = tpu.sem_alloc : memref<!tpu.dma_semaphore, #tpu.memory_space<semaphore_mem>>
      %dma_start3A_116 = arith.constant 50 : i32
      %dma_start3A_117 = arith.constant 0 : i32
      %dma_start3A_118 = tpu.memref_slice %arg8[%dma_start3A_116, %dma_start3A_117] : memref<200x128xf32, #tpu.memory_space<vmem>> -> memref<50x64xf32, #tpu.memory_space<vmem>>
      %dma_start3A_119 = arith.constant 0 : i32
      %dma_start3A_120 = arith.constant 0 : i32
      %dma_start3A_121 = tpu.memref_slice %arg4[%add3A_85, %dma_start3A_119, %dma_start3A_120] : memref<16384x56x128xf32, #tpu.memory_space<hbm>> -> memref<1x50x64xf32, #tpu.memory_space<hbm>>
      %dma_start3A_122 = tpu.memref_squeeze %dma_start3A_121 : memref<1x50x64xf32, #tpu.memory_space<hbm>> -> memref<50x64xf32, #tpu.memory_space<hbm>>
      %dma_start3A_123 = arith.constant 0 : i32
      %dma_start3A_124 = arith.constant 0 : i32
      %dma_start3A_125 = tpu.memref_slice %arg4[%add3A_85, %dma_start3A_123, %dma_start3A_124] : memref<16384x56x128xf32, #tpu.memory_space<hbm>> -> memref<1x50x64xf32, #tpu.memory_space<hbm>>
      %dma_start3A_126 = tpu.memref_squeeze %dma_start3A_125 : memref<1x50x64xf32, #tpu.memory_space<hbm>> -> memref<50x64xf32, #tpu.memory_space<hbm>>
      %dma_start3A_127 = arith.constant 50 : i32
      %dma_start3A_128 = arith.constant 0 : i32
      %dma_start3A_129 = tpu.memref_slice %arg8[%dma_start3A_127, %dma_start3A_128] : memref<200x128xf32, #tpu.memory_space<vmem>> -> memref<50x64xf32, #tpu.memory_space<vmem>>
      tpu.enqueue_dma source(%dma_start3A_129 : memref<50x64xf32, #tpu.memory_space<vmem>>) target(%dma_start3A_126 : memref<50x64xf32, #tpu.memory_space<hbm>>) target_semaphore(%run_scoped3A : memref<!tpu.dma_semaphore, #tpu.memory_space<semaphore_mem>>)
      %dma_wait3A_130 = arith.constant 50 : i32
      %dma_wait3A_131 = arith.constant 0 : i32
      %dma_wait3A_132 = tpu.memref_slice %arg8[%dma_wait3A_130, %dma_wait3A_131] : memref<200x128xf32, #tpu.memory_space<vmem>> -> memref<50x64xf32, #tpu.memory_space<vmem>>
      %dma_wait3A_133 = arith.constant 0 : i32
      %dma_wait3A_134 = arith.constant 0 : i32
      %dma_wait3A_135 = tpu.memref_slice %arg4[%add3A_85, %dma_wait3A_133, %dma_wait3A_134] : memref<16384x56x128xf32, #tpu.memory_space<hbm>> -> memref<1x50x64xf32, #tpu.memory_space<hbm>>
      %dma_wait3A_136 = tpu.memref_squeeze %dma_wait3A_135 : memref<1x50x64xf32, #tpu.memory_space<hbm>> -> memref<50x64xf32, #tpu.memory_space<hbm>>
      %dma_wait3A_137 = arith.constant 0 : i32
      %dma_wait3A_138 = arith.constant 0 : i32
      %dma_wait3A_139 = tpu.memref_slice %arg4[%add3A_85, %dma_wait3A_137, %dma_wait3A_138] : memref<16384x56x128xf32, #tpu.memory_space<hbm>> -> memref<1x50x64xf32, #tpu.memory_space<hbm>>
      %dma_wait3A_140 = tpu.memref_squeeze %dma_wait3A_139 : memref<1x50x64xf32, #tpu.memory_space<hbm>> -> memref<50x64xf32, #tpu.memory_space<hbm>>
      %dma_wait3A_141 = arith.constant 50 : i32
      %dma_wait3A_142 = arith.constant 0 : i32
      %dma_wait3A_143 = tpu.memref_slice %arg8[%dma_wait3A_141, %dma_wait3A_142] : memref<200x128xf32, #tpu.memory_space<vmem>> -> memref<50x64xf32, #tpu.memory_space<vmem>>
      tpu.wait_dma2 semaphore(%run_scoped3A : memref<!tpu.dma_semaphore, #tpu.memory_space<semaphore_mem>>) src(%dma_wait3A_143 : memref<50x64xf32, #tpu.memory_space<vmem>>) dst(%dma_wait3A_140 : memref<50x64xf32, #tpu.memory_space<hbm>>)
      tpu.yield
    }) : () -> ()
    %add3A_86 = arith.constant 504 : i32
    %add3A_87 = arith.addi %mul3A_2, %add3A_86 : i32
    %add3A_88 = arith.constant 2 : i32
    %add3A_89 = arith.addi %add3A_87, %add3A_88 : i32
    "tpu.region"() ({
      %run_scoped3A = tpu.sem_alloc : memref<!tpu.dma_semaphore, #tpu.memory_space<semaphore_mem>>
      %dma_start3A_116 = arith.constant 100 : i32
      %dma_start3A_117 = arith.constant 0 : i32
      %dma_start3A_118 = tpu.memref_slice %arg8[%dma_start3A_116, %dma_start3A_117] : memref<200x128xf32, #tpu.memory_space<vmem>> -> memref<50x64xf32, #tpu.memory_space<vmem>>
      %dma_start3A_119 = arith.constant 0 : i32
      %dma_start3A_120 = arith.constant 0 : i32
      %dma_start3A_121 = tpu.memref_slice %arg4[%add3A_89, %dma_start3A_119, %dma_start3A_120] : memref<16384x56x128xf32, #tpu.memory_space<hbm>> -> memref<1x50x64xf32, #tpu.memory_space<hbm>>
      %dma_start3A_122 = tpu.memref_squeeze %dma_start3A_121 : memref<1x50x64xf32, #tpu.memory_space<hbm>> -> memref<50x64xf32, #tpu.memory_space<hbm>>
      %dma_start3A_123 = arith.constant 0 : i32
      %dma_start3A_124 = arith.constant 0 : i32
      %dma_start3A_125 = tpu.memref_slice %arg4[%add3A_89, %dma_start3A_123, %dma_start3A_124] : memref<16384x56x128xf32, #tpu.memory_space<hbm>> -> memref<1x50x64xf32, #tpu.memory_space<hbm>>
      %dma_start3A_126 = tpu.memref_squeeze %dma_start3A_125 : memref<1x50x64xf32, #tpu.memory_space<hbm>> -> memref<50x64xf32, #tpu.memory_space<hbm>>
      %dma_start3A_127 = arith.constant 100 : i32
      %dma_start3A_128 = arith.constant 0 : i32
      %dma_start3A_129 = tpu.memref_slice %arg8[%dma_start3A_127, %dma_start3A_128] : memref<200x128xf32, #tpu.memory_space<vmem>> -> memref<50x64xf32, #tpu.memory_space<vmem>>
      tpu.enqueue_dma source(%dma_start3A_129 : memref<50x64xf32, #tpu.memory_space<vmem>>) target(%dma_start3A_126 : memref<50x64xf32, #tpu.memory_space<hbm>>) target_semaphore(%run_scoped3A : memref<!tpu.dma_semaphore, #tpu.memory_space<semaphore_mem>>)
      %dma_wait3A_130 = arith.constant 100 : i32
      %dma_wait3A_131 = arith.constant 0 : i32
      %dma_wait3A_132 = tpu.memref_slice %arg8[%dma_wait3A_130, %dma_wait3A_131] : memref<200x128xf32, #tpu.memory_space<vmem>> -> memref<50x64xf32, #tpu.memory_space<vmem>>
      %dma_wait3A_133 = arith.constant 0 : i32
      %dma_wait3A_134 = arith.constant 0 : i32
      %dma_wait3A_135 = tpu.memref_slice %arg4[%add3A_89, %dma_wait3A_133, %dma_wait3A_134] : memref<16384x56x128xf32, #tpu.memory_space<hbm>> -> memref<1x50x64xf32, #tpu.memory_space<hbm>>
      %dma_wait3A_136 = tpu.memref_squeeze %dma_wait3A_135 : memref<1x50x64xf32, #tpu.memory_space<hbm>> -> memref<50x64xf32, #tpu.memory_space<hbm>>
      %dma_wait3A_137 = arith.constant 0 : i32
      %dma_wait3A_138 = arith.constant 0 : i32
      %dma_wait3A_139 = tpu.memref_slice %arg4[%add3A_89, %dma_wait3A_137, %dma_wait3A_138] : memref<16384x56x128xf32, #tpu.memory_space<hbm>> -> memref<1x50x64xf32, #tpu.memory_space<hbm>>
      %dma_wait3A_140 = tpu.memref_squeeze %dma_wait3A_139 : memref<1x50x64xf32, #tpu.memory_space<hbm>> -> memref<50x64xf32, #tpu.memory_space<hbm>>
      %dma_wait3A_141 = arith.constant 100 : i32
      %dma_wait3A_142 = arith.constant 0 : i32
      %dma_wait3A_143 = tpu.memref_slice %arg8[%dma_wait3A_141, %dma_wait3A_142] : memref<200x128xf32, #tpu.memory_space<vmem>> -> memref<50x64xf32, #tpu.memory_space<vmem>>
      tpu.wait_dma2 semaphore(%run_scoped3A : memref<!tpu.dma_semaphore, #tpu.memory_space<semaphore_mem>>) src(%dma_wait3A_143 : memref<50x64xf32, #tpu.memory_space<vmem>>) dst(%dma_wait3A_140 : memref<50x64xf32, #tpu.memory_space<hbm>>)
      tpu.yield
    }) : () -> ()
    %add3A_90 = arith.constant 504 : i32
    %add3A_91 = arith.addi %mul3A_2, %add3A_90 : i32
    %add3A_92 = arith.constant 3 : i32
    %add3A_93 = arith.addi %add3A_91, %add3A_92 : i32
    "tpu.region"() ({
      %run_scoped3A = tpu.sem_alloc : memref<!tpu.dma_semaphore, #tpu.memory_space<semaphore_mem>>
      %dma_start3A_116 = arith.constant 150 : i32
      %dma_start3A_117 = arith.constant 0 : i32
      %dma_start3A_118 = tpu.memref_slice %arg8[%dma_start3A_116, %dma_start3A_117] : memref<200x128xf32, #tpu.memory_space<vmem>> -> memref<50x64xf32, #tpu.memory_space<vmem>>
      %dma_start3A_119 = arith.constant 0 : i32
      %dma_start3A_120 = arith.constant 0 : i32
      %dma_start3A_121 = tpu.memref_slice %arg4[%add3A_93, %dma_start3A_119, %dma_start3A_120] : memref<16384x56x128xf32, #tpu.memory_space<hbm>> -> memref<1x50x64xf32, #tpu.memory_space<hbm>>
      %dma_start3A_122 = tpu.memref_squeeze %dma_start3A_121 : memref<1x50x64xf32, #tpu.memory_space<hbm>> -> memref<50x64xf32, #tpu.memory_space<hbm>>
      %dma_start3A_123 = arith.constant 0 : i32
      %dma_start3A_124 = arith.constant 0 : i32
      %dma_start3A_125 = tpu.memref_slice %arg4[%add3A_93, %dma_start3A_123, %dma_start3A_124] : memref<16384x56x128xf32, #tpu.memory_space<hbm>> -> memref<1x50x64xf32, #tpu.memory_space<hbm>>
      %dma_start3A_126 = tpu.memref_squeeze %dma_start3A_125 : memref<1x50x64xf32, #tpu.memory_space<hbm>> -> memref<50x64xf32, #tpu.memory_space<hbm>>
      %dma_start3A_127 = arith.constant 150 : i32
      %dma_start3A_128 = arith.constant 0 : i32
      %dma_start3A_129 = tpu.memref_slice %arg8[%dma_start3A_127, %dma_start3A_128] : memref<200x128xf32, #tpu.memory_space<vmem>> -> memref<50x64xf32, #tpu.memory_space<vmem>>
      tpu.enqueue_dma source(%dma_start3A_129 : memref<50x64xf32, #tpu.memory_space<vmem>>) target(%dma_start3A_126 : memref<50x64xf32, #tpu.memory_space<hbm>>) target_semaphore(%run_scoped3A : memref<!tpu.dma_semaphore, #tpu.memory_space<semaphore_mem>>)
      %dma_wait3A_130 = arith.constant 150 : i32
      %dma_wait3A_131 = arith.constant 0 : i32
      %dma_wait3A_132 = tpu.memref_slice %arg8[%dma_wait3A_130, %dma_wait3A_131] : memref<200x128xf32, #tpu.memory_space<vmem>> -> memref<50x64xf32, #tpu.memory_space<vmem>>
      %dma_wait3A_133 = arith.constant 0 : i32
      %dma_wait3A_134 = arith.constant 0 : i32
      %dma_wait3A_135 = tpu.memref_slice %arg4[%add3A_93, %dma_wait3A_133, %dma_wait3A_134] : memref<16384x56x128xf32, #tpu.memory_space<hbm>> -> memref<1x50x64xf32, #tpu.memory_space<hbm>>
      %dma_wait3A_136 = tpu.memref_squeeze %dma_wait3A_135 : memref<1x50x64xf32, #tpu.memory_space<hbm>> -> memref<50x64xf32, #tpu.memory_space<hbm>>
      %dma_wait3A_137 = arith.constant 0 : i32
      %dma_wait3A_138 = arith.constant 0 : i32
      %dma_wait3A_139 = tpu.memref_slice %arg4[%add3A_93, %dma_wait3A_137, %dma_wait3A_138] : memref<16384x56x128xf32, #tpu.memory_space<hbm>> -> memref<1x50x64xf32, #tpu.memory_space<hbm>>
      %dma_wait3A_140 = tpu.memref_squeeze %dma_wait3A_139 : memref<1x50x64xf32, #tpu.memory_space<hbm>> -> memref<50x64xf32, #tpu.memory_space<hbm>>
      %dma_wait3A_141 = arith.constant 150 : i32
      %dma_wait3A_142 = arith.constant 0 : i32
      %dma_wait3A_143 = tpu.memref_slice %arg8[%dma_wait3A_141, %dma_wait3A_142] : memref<200x128xf32, #tpu.memory_space<vmem>> -> memref<50x64xf32, #tpu.memory_space<vmem>>
      tpu.wait_dma2 semaphore(%run_scoped3A : memref<!tpu.dma_semaphore, #tpu.memory_space<semaphore_mem>>) src(%dma_wait3A_143 : memref<50x64xf32, #tpu.memory_space<vmem>>) dst(%dma_wait3A_140 : memref<50x64xf32, #tpu.memory_space<hbm>>)
      tpu.yield
    }) : () -> ()
    %dma_wait3A_94 = arith.constant 0 : i32
    %dma_wait3A_95 = arith.constant 0 : i32
    %dma_wait3A_96 = tpu.memref_slice %arg3[%dma_wait3A_94, %dma_wait3A_95] : memref<1000000x128xf32, #tpu.memory_space<hbm>> -> memref<200x128xf32, #tpu.memory_space<hbm>>
    %dma_wait3A_97 = arith.constant 0 : i32
    %dma_wait3A_98 = arith.constant 0 : i32
    %dma_wait3A_99 = tpu.memref_slice %arg3[%dma_wait3A_97, %dma_wait3A_98] : memref<1000000x128xf32, #tpu.memory_space<hbm>> -> memref<200x128xf32, #tpu.memory_space<hbm>>
    tpu.wait_dma2 semaphore(%arg13 : memref<!tpu.dma_semaphore, #tpu.memory_space<semaphore_mem>>) src(%dma_wait3A_99 : memref<200x128xf32, #tpu.memory_space<hbm>>) dst(%arg9 : memref<200x128xf32, #tpu.memory_space<vmem>>)
    %add3A_100 = arith.constant 508 : i32
    %add3A_101 = arith.addi %mul3A_2, %add3A_100 : i32
    %add3A_102 = arith.constant 0 : i32
    %add3A_103 = arith.addi %add3A_101, %add3A_102 : i32
    "tpu.region"() ({
      %run_scoped3A = tpu.sem_alloc : memref<!tpu.dma_semaphore, #tpu.memory_space<semaphore_mem>>
      %dma_start3A_116 = arith.constant 0 : i32
      %dma_start3A_117 = arith.constant 0 : i32
      %dma_start3A_118 = tpu.memref_slice %arg9[%dma_start3A_116, %dma_start3A_117] : memref<200x128xf32, #tpu.memory_space<vmem>> -> memref<50x64xf32, #tpu.memory_space<vmem>>
      %dma_start3A_119 = arith.constant 0 : i32
      %dma_start3A_120 = arith.constant 0 : i32
      %dma_start3A_121 = tpu.memref_slice %arg4[%add3A_103, %dma_start3A_119, %dma_start3A_120] : memref<16384x56x128xf32, #tpu.memory_space<hbm>> -> memref<1x50x64xf32, #tpu.memory_space<hbm>>
      %dma_start3A_122 = tpu.memref_squeeze %dma_start3A_121 : memref<1x50x64xf32, #tpu.memory_space<hbm>> -> memref<50x64xf32, #tpu.memory_space<hbm>>
      %dma_start3A_123 = arith.constant 0 : i32
      %dma_start3A_124 = arith.constant 0 : i32
      %dma_start3A_125 = tpu.memref_slice %arg4[%add3A_103, %dma_start3A_123, %dma_start3A_124] : memref<16384x56x128xf32, #tpu.memory_space<hbm>> -> memref<1x50x64xf32, #tpu.memory_space<hbm>>
      %dma_start3A_126 = tpu.memref_squeeze %dma_start3A_125 : memref<1x50x64xf32, #tpu.memory_space<hbm>> -> memref<50x64xf32, #tpu.memory_space<hbm>>
      %dma_start3A_127 = arith.constant 0 : i32
      %dma_start3A_128 = arith.constant 0 : i32
      %dma_start3A_129 = tpu.memref_slice %arg9[%dma_start3A_127, %dma_start3A_128] : memref<200x128xf32, #tpu.memory_space<vmem>> -> memref<50x64xf32, #tpu.memory_space<vmem>>
      tpu.enqueue_dma source(%dma_start3A_129 : memref<50x64xf32, #tpu.memory_space<vmem>>) target(%dma_start3A_126 : memref<50x64xf32, #tpu.memory_space<hbm>>) target_semaphore(%run_scoped3A : memref<!tpu.dma_semaphore, #tpu.memory_space<semaphore_mem>>)
      %dma_wait3A_130 = arith.constant 0 : i32
      %dma_wait3A_131 = arith.constant 0 : i32
      %dma_wait3A_132 = tpu.memref_slice %arg9[%dma_wait3A_130, %dma_wait3A_131] : memref<200x128xf32, #tpu.memory_space<vmem>> -> memref<50x64xf32, #tpu.memory_space<vmem>>
      %dma_wait3A_133 = arith.constant 0 : i32
      %dma_wait3A_134 = arith.constant 0 : i32
      %dma_wait3A_135 = tpu.memref_slice %arg4[%add3A_103, %dma_wait3A_133, %dma_wait3A_134] : memref<16384x56x128xf32, #tpu.memory_space<hbm>> -> memref<1x50x64xf32, #tpu.memory_space<hbm>>
      %dma_wait3A_136 = tpu.memref_squeeze %dma_wait3A_135 : memref<1x50x64xf32, #tpu.memory_space<hbm>> -> memref<50x64xf32, #tpu.memory_space<hbm>>
      %dma_wait3A_137 = arith.constant 0 : i32
      %dma_wait3A_138 = arith.constant 0 : i32
      %dma_wait3A_139 = tpu.memref_slice %arg4[%add3A_103, %dma_wait3A_137, %dma_wait3A_138] : memref<16384x56x128xf32, #tpu.memory_space<hbm>> -> memref<1x50x64xf32, #tpu.memory_space<hbm>>
      %dma_wait3A_140 = tpu.memref_squeeze %dma_wait3A_139 : memref<1x50x64xf32, #tpu.memory_space<hbm>> -> memref<50x64xf32, #tpu.memory_space<hbm>>
      %dma_wait3A_141 = arith.constant 0 : i32
      %dma_wait3A_142 = arith.constant 0 : i32
      %dma_wait3A_143 = tpu.memref_slice %arg9[%dma_wait3A_141, %dma_wait3A_142] : memref<200x128xf32, #tpu.memory_space<vmem>> -> memref<50x64xf32, #tpu.memory_space<vmem>>
      tpu.wait_dma2 semaphore(%run_scoped3A : memref<!tpu.dma_semaphore, #tpu.memory_space<semaphore_mem>>) src(%dma_wait3A_143 : memref<50x64xf32, #tpu.memory_space<vmem>>) dst(%dma_wait3A_140 : memref<50x64xf32, #tpu.memory_space<hbm>>)
      tpu.yield
    }) : () -> ()
    %add3A_104 = arith.constant 508 : i32
    %add3A_105 = arith.addi %mul3A_2, %add3A_104 : i32
    %add3A_106 = arith.constant 1 : i32
    %add3A_107 = arith.addi %add3A_105, %add3A_106 : i32
    "tpu.region"() ({
      %run_scoped3A = tpu.sem_alloc : memref<!tpu.dma_semaphore, #tpu.memory_space<semaphore_mem>>
      %dma_start3A_116 = arith.constant 50 : i32
      %dma_start3A_117 = arith.constant 0 : i32
      %dma_start3A_118 = tpu.memref_slice %arg9[%dma_start3A_116, %dma_start3A_117] : memref<200x128xf32, #tpu.memory_space<vmem>> -> memref<50x64xf32, #tpu.memory_space<vmem>>
      %dma_start3A_119 = arith.constant 0 : i32
      %dma_start3A_120 = arith.constant 0 : i32
      %dma_start3A_121 = tpu.memref_slice %arg4[%add3A_107, %dma_start3A_119, %dma_start3A_120] : memref<16384x56x128xf32, #tpu.memory_space<hbm>> -> memref<1x50x64xf32, #tpu.memory_space<hbm>>
      %dma_start3A_122 = tpu.memref_squeeze %dma_start3A_121 : memref<1x50x64xf32, #tpu.memory_space<hbm>> -> memref<50x64xf32, #tpu.memory_space<hbm>>
      %dma_start3A_123 = arith.constant 0 : i32
      %dma_start3A_124 = arith.constant 0 : i32
      %dma_start3A_125 = tpu.memref_slice %arg4[%add3A_107, %dma_start3A_123, %dma_start3A_124] : memref<16384x56x128xf32, #tpu.memory_space<hbm>> -> memref<1x50x64xf32, #tpu.memory_space<hbm>>
      %dma_start3A_126 = tpu.memref_squeeze %dma_start3A_125 : memref<1x50x64xf32, #tpu.memory_space<hbm>> -> memref<50x64xf32, #tpu.memory_space<hbm>>
      %dma_start3A_127 = arith.constant 50 : i32
      %dma_start3A_128 = arith.constant 0 : i32
      %dma_start3A_129 = tpu.memref_slice %arg9[%dma_start3A_127, %dma_start3A_128] : memref<200x128xf32, #tpu.memory_space<vmem>> -> memref<50x64xf32, #tpu.memory_space<vmem>>
      tpu.enqueue_dma source(%dma_start3A_129 : memref<50x64xf32, #tpu.memory_space<vmem>>) target(%dma_start3A_126 : memref<50x64xf32, #tpu.memory_space<hbm>>) target_semaphore(%run_scoped3A : memref<!tpu.dma_semaphore, #tpu.memory_space<semaphore_mem>>)
      %dma_wait3A_130 = arith.constant 50 : i32
      %dma_wait3A_131 = arith.constant 0 : i32
      %dma_wait3A_132 = tpu.memref_slice %arg9[%dma_wait3A_130, %dma_wait3A_131] : memref<200x128xf32, #tpu.memory_space<vmem>> -> memref<50x64xf32, #tpu.memory_space<vmem>>
      %dma_wait3A_133 = arith.constant 0 : i32
      %dma_wait3A_134 = arith.constant 0 : i32
      %dma_wait3A_135 = tpu.memref_slice %arg4[%add3A_107, %dma_wait3A_133, %dma_wait3A_134] : memref<16384x56x128xf32, #tpu.memory_space<hbm>> -> memref<1x50x64xf32, #tpu.memory_space<hbm>>
      %dma_wait3A_136 = tpu.memref_squeeze %dma_wait3A_135 : memref<1x50x64xf32, #tpu.memory_space<hbm>> -> memref<50x64xf32, #tpu.memory_space<hbm>>
      %dma_wait3A_137 = arith.constant 0 : i32
      %dma_wait3A_138 = arith.constant 0 : i32
      %dma_wait3A_139 = tpu.memref_slice %arg4[%add3A_107, %dma_wait3A_137, %dma_wait3A_138] : memref<16384x56x128xf32, #tpu.memory_space<hbm>> -> memref<1x50x64xf32, #tpu.memory_space<hbm>>
      %dma_wait3A_140 = tpu.memref_squeeze %dma_wait3A_139 : memref<1x50x64xf32, #tpu.memory_space<hbm>> -> memref<50x64xf32, #tpu.memory_space<hbm>>
      %dma_wait3A_141 = arith.constant 50 : i32
      %dma_wait3A_142 = arith.constant 0 : i32
      %dma_wait3A_143 = tpu.memref_slice %arg9[%dma_wait3A_141, %dma_wait3A_142] : memref<200x128xf32, #tpu.memory_space<vmem>> -> memref<50x64xf32, #tpu.memory_space<vmem>>
      tpu.wait_dma2 semaphore(%run_scoped3A : memref<!tpu.dma_semaphore, #tpu.memory_space<semaphore_mem>>) src(%dma_wait3A_143 : memref<50x64xf32, #tpu.memory_space<vmem>>) dst(%dma_wait3A_140 : memref<50x64xf32, #tpu.memory_space<hbm>>)
      tpu.yield
    }) : () -> ()
    %add3A_108 = arith.constant 508 : i32
    %add3A_109 = arith.addi %mul3A_2, %add3A_108 : i32
    %add3A_110 = arith.constant 2 : i32
    %add3A_111 = arith.addi %add3A_109, %add3A_110 : i32
    "tpu.region"() ({
      %run_scoped3A = tpu.sem_alloc : memref<!tpu.dma_semaphore, #tpu.memory_space<semaphore_mem>>
      %dma_start3A_116 = arith.constant 100 : i32
      %dma_start3A_117 = arith.constant 0 : i32
      %dma_start3A_118 = tpu.memref_slice %arg9[%dma_start3A_116, %dma_start3A_117] : memref<200x128xf32, #tpu.memory_space<vmem>> -> memref<50x64xf32, #tpu.memory_space<vmem>>
      %dma_start3A_119 = arith.constant 0 : i32
      %dma_start3A_120 = arith.constant 0 : i32
      %dma_start3A_121 = tpu.memref_slice %arg4[%add3A_111, %dma_start3A_119, %dma_start3A_120] : memref<16384x56x128xf32, #tpu.memory_space<hbm>> -> memref<1x50x64xf32, #tpu.memory_space<hbm>>
      %dma_start3A_122 = tpu.memref_squeeze %dma_start3A_121 : memref<1x50x64xf32, #tpu.memory_space<hbm>> -> memref<50x64xf32, #tpu.memory_space<hbm>>
      %dma_start3A_123 = arith.constant 0 : i32
      %dma_start3A_124 = arith.constant 0 : i32
      %dma_start3A_125 = tpu.memref_slice %arg4[%add3A_111, %dma_start3A_123, %dma_start3A_124] : memref<16384x56x128xf32, #tpu.memory_space<hbm>> -> memref<1x50x64xf32, #tpu.memory_space<hbm>>
      %dma_start3A_126 = tpu.memref_squeeze %dma_start3A_125 : memref<1x50x64xf32, #tpu.memory_space<hbm>> -> memref<50x64xf32, #tpu.memory_space<hbm>>
      %dma_start3A_127 = arith.constant 100 : i32
      %dma_start3A_128 = arith.constant 0 : i32
      %dma_start3A_129 = tpu.memref_slice %arg9[%dma_start3A_127, %dma_start3A_128] : memref<200x128xf32, #tpu.memory_space<vmem>> -> memref<50x64xf32, #tpu.memory_space<vmem>>
      tpu.enqueue_dma source(%dma_start3A_129 : memref<50x64xf32, #tpu.memory_space<vmem>>) target(%dma_start3A_126 : memref<50x64xf32, #tpu.memory_space<hbm>>) target_semaphore(%run_scoped3A : memref<!tpu.dma_semaphore, #tpu.memory_space<semaphore_mem>>)
      %dma_wait3A_130 = arith.constant 100 : i32
      %dma_wait3A_131 = arith.constant 0 : i32
      %dma_wait3A_132 = tpu.memref_slice %arg9[%dma_wait3A_130, %dma_wait3A_131] : memref<200x128xf32, #tpu.memory_space<vmem>> -> memref<50x64xf32, #tpu.memory_space<vmem>>
      %dma_wait3A_133 = arith.constant 0 : i32
      %dma_wait3A_134 = arith.constant 0 : i32
      %dma_wait3A_135 = tpu.memref_slice %arg4[%add3A_111, %dma_wait3A_133, %dma_wait3A_134] : memref<16384x56x128xf32, #tpu.memory_space<hbm>> -> memref<1x50x64xf32, #tpu.memory_space<hbm>>
      %dma_wait3A_136 = tpu.memref_squeeze %dma_wait3A_135 : memref<1x50x64xf32, #tpu.memory_space<hbm>> -> memref<50x64xf32, #tpu.memory_space<hbm>>
      %dma_wait3A_137 = arith.constant 0 : i32
      %dma_wait3A_138 = arith.constant 0 : i32
      %dma_wait3A_139 = tpu.memref_slice %arg4[%add3A_111, %dma_wait3A_137, %dma_wait3A_138] : memref<16384x56x128xf32, #tpu.memory_space<hbm>> -> memref<1x50x64xf32, #tpu.memory_space<hbm>>
      %dma_wait3A_140 = tpu.memref_squeeze %dma_wait3A_139 : memref<1x50x64xf32, #tpu.memory_space<hbm>> -> memref<50x64xf32, #tpu.memory_space<hbm>>
      %dma_wait3A_141 = arith.constant 100 : i32
      %dma_wait3A_142 = arith.constant 0 : i32
      %dma_wait3A_143 = tpu.memref_slice %arg9[%dma_wait3A_141, %dma_wait3A_142] : memref<200x128xf32, #tpu.memory_space<vmem>> -> memref<50x64xf32, #tpu.memory_space<vmem>>
      tpu.wait_dma2 semaphore(%run_scoped3A : memref<!tpu.dma_semaphore, #tpu.memory_space<semaphore_mem>>) src(%dma_wait3A_143 : memref<50x64xf32, #tpu.memory_space<vmem>>) dst(%dma_wait3A_140 : memref<50x64xf32, #tpu.memory_space<hbm>>)
      tpu.yield
    }) : () -> ()
    %add3A_112 = arith.constant 508 : i32
    %add3A_113 = arith.addi %mul3A_2, %add3A_112 : i32
    %add3A_114 = arith.constant 3 : i32
    %add3A_115 = arith.addi %add3A_113, %add3A_114 : i32
    "tpu.region"() ({
      %run_scoped3A = tpu.sem_alloc : memref<!tpu.dma_semaphore, #tpu.memory_space<semaphore_mem>>
      %dma_start3A_116 = arith.constant 150 : i32
      %dma_start3A_117 = arith.constant 0 : i32
      %dma_start3A_118 = tpu.memref_slice %arg9[%dma_start3A_116, %dma_start3A_117] : memref<200x128xf32, #tpu.memory_space<vmem>> -> memref<50x64xf32, #tpu.memory_space<vmem>>
      %dma_start3A_119 = arith.constant 0 : i32
      %dma_start3A_120 = arith.constant 0 : i32
      %dma_start3A_121 = tpu.memref_slice %arg4[%add3A_115, %dma_start3A_119, %dma_start3A_120] : memref<16384x56x128xf32, #tpu.memory_space<hbm>> -> memref<1x50x64xf32, #tpu.memory_space<hbm>>
      %dma_start3A_122 = tpu.memref_squeeze %dma_start3A_121 : memref<1x50x64xf32, #tpu.memory_space<hbm>> -> memref<50x64xf32, #tpu.memory_space<hbm>>
      %dma_start3A_123 = arith.constant 0 : i32
      %dma_start3A_124 = arith.constant 0 : i32
      %dma_start3A_125 = tpu.memref_slice %arg4[%add3A_115, %dma_start3A_123, %dma_start3A_124] : memref<16384x56x128xf32, #tpu.memory_space<hbm>> -> memref<1x50x64xf32, #tpu.memory_space<hbm>>
      %dma_start3A_126 = tpu.memref_squeeze %dma_start3A_125 : memref<1x50x64xf32, #tpu.memory_space<hbm>> -> memref<50x64xf32, #tpu.memory_space<hbm>>
      %dma_start3A_127 = arith.constant 150 : i32
      %dma_start3A_128 = arith.constant 0 : i32
      %dma_start3A_129 = tpu.memref_slice %arg9[%dma_start3A_127, %dma_start3A_128] : memref<200x128xf32, #tpu.memory_space<vmem>> -> memref<50x64xf32, #tpu.memory_space<vmem>>
      tpu.enqueue_dma source(%dma_start3A_129 : memref<50x64xf32, #tpu.memory_space<vmem>>) target(%dma_start3A_126 : memref<50x64xf32, #tpu.memory_space<hbm>>) target_semaphore(%run_scoped3A : memref<!tpu.dma_semaphore, #tpu.memory_space<semaphore_mem>>)
      %dma_wait3A_130 = arith.constant 150 : i32
      %dma_wait3A_131 = arith.constant 0 : i32
      %dma_wait3A_132 = tpu.memref_slice %arg9[%dma_wait3A_130, %dma_wait3A_131] : memref<200x128xf32, #tpu.memory_space<vmem>> -> memref<50x64xf32, #tpu.memory_space<vmem>>
      %dma_wait3A_133 = arith.constant 0 : i32
      %dma_wait3A_134 = arith.constant 0 : i32
      %dma_wait3A_135 = tpu.memref_slice %arg4[%add3A_115, %dma_wait3A_133, %dma_wait3A_134] : memref<16384x56x128xf32, #tpu.memory_space<hbm>> -> memref<1x50x64xf32, #tpu.memory_space<hbm>>
      %dma_wait3A_136 = tpu.memref_squeeze %dma_wait3A_135 : memref<1x50x64xf32, #tpu.memory_space<hbm>> -> memref<50x64xf32, #tpu.memory_space<hbm>>
      %dma_wait3A_137 = arith.constant 0 : i32
      %dma_wait3A_138 = arith.constant 0 : i32
      %dma_wait3A_139 = tpu.memref_slice %arg4[%add3A_115, %dma_wait3A_137, %dma_wait3A_138] : memref<16384x56x128xf32, #tpu.memory_space<hbm>> -> memref<1x50x64xf32, #tpu.memory_space<hbm>>
      %dma_wait3A_140 = tpu.memref_squeeze %dma_wait3A_139 : memref<1x50x64xf32, #tpu.memory_space<hbm>> -> memref<50x64xf32, #tpu.memory_space<hbm>>
      %dma_wait3A_141 = arith.constant 150 : i32
      %dma_wait3A_142 = arith.constant 0 : i32
      %dma_wait3A_143 = tpu.memref_slice %arg9[%dma_wait3A_141, %dma_wait3A_142] : memref<200x128xf32, #tpu.memory_space<vmem>> -> memref<50x64xf32, #tpu.memory_space<vmem>>
      tpu.wait_dma2 semaphore(%run_scoped3A : memref<!tpu.dma_semaphore, #tpu.memory_space<semaphore_mem>>) src(%dma_wait3A_143 : memref<50x64xf32, #tpu.memory_space<vmem>>) dst(%dma_wait3A_140 : memref<50x64xf32, #tpu.memory_space<hbm>>)
      tpu.yield
    }) : () -> ()
    return
  }
}

</mosaic_0001>

<sc_bundles>
// kernel: kernel.3.cloned.1.call-start
scs
__scs_entry_jumppad:
0x0: {  	(pc) =	sbr.rel $0x88, $3  }
0x1: {  	(tag) =	ssettag $0x0;
	lr =	simm.s32 $0x1  }
0x2: {  	[smem:$0x3F9F] =	sst lr;
	_ =	strace $0xD0000000  }
0x3: {  	_ = 	snop  }
0x4: {  	_ = 	snop  }
0x5: {  	_ = 	snop  }
0x6: {  	_ = 	snop  }
0x7: {  	_ = 	snop  }
__scs_overlays_trampoline_lowered:
0x8: {  	[smem:$0x3FAE] =	sst s0  }
0x9: {  	[smem:$0x3FAF] =	sst s1  }
0xa: {  	[smem:$0x3FB0] =	sst s2  }
0xb: {  	[smem:$0x3FB1] =	sst s3  }
0xc: {  	[smem:$0x3FB2] =	sst s4  }
0xd: {  	[smem:$0x3FB3] =	sst s5  }
0xe: {  	[smem:$0x3FB4] =	sst s6  }
0xf: {  	[smem:$0x3FB5] =	sst s7  }
0x10: {  	[smem:$0x3FB6] =	sst s8  }
0x11: {  	[smem:$0x3FB7] =	sst s9;
	s0 =	simm.s32 @!p0 $0x0  }
0x12: {  	s1 =	sld [smem:$0x3F9D];
	s0 =	simm.s32 @p0 $0x1  }
0x13: {  	[smem:$0x3FB8] =	sst s0;
	s0 =	simm.s32 @!p1 $0x0  }
0x14: {  	s2 =	sld [smem:$0x3F9C];
	s0 =	simm.s32 @p1 $0x1  }
0x15: {  	[smem:$0x3FB9] =	sst s0;
	s0 =	simm.s32 @!p2 $0x0  }
0x16: {  	s3 =	sld [smem:$0x3FDB];
	s0 =	simm.s32 @p2 $0x1  }
0x17: {  	s4 =	simm.s32 $0x1BF5;
	[smem:$0x3FBB] =	sst s0  }
0x18: {  	s0 =	sld [smem:$0x3F9E];
	_ =	swait.ge [sflag:s4], $0x0  }
0x19: {  	s7 =	sld [smem:$0x3F9F]  }
0x1a: {  	s8 =	sadd.s32 $0xFFFFE003, lr  }
0x1b: {  	s9 =	sadd.s32 $0xFFFFFEF7, lr;
	s5 =	simm.s32 $0xFFFFFFFF;
	p2 =	slt.u32 s8, $0xFFFFF086  }
0x1c: {  	p1 =	slt.u32 s9, $0xF7A;
	s5 =	simm.s32 @!p2 $0x0  }
0x1d: {  	s5 =	simm.s32 @p1 $0x1;
	p0 =	seq.s32 s7, s2  }
0x1e: {  	s7 =	smul.u32 @!p0 $0xF7A, s2;
	p2 =	seq.s32 @!p0 s5, $0x0  }
0x1f: {  	s9 =	smul.u32 $0xF7A, s1;
	s8 =	simm.s32 @!p0 $0x1BF5;
	p2 =	por !p2, p0  }
0x20: {  	[sflag:s8] =	ssyncset.s32 @!p0 $0xFFFFF086;
	s6 =	sadd.s32 @!p0 s3, s7;
	s7 =	simm.s32 @!p0 $0x108  }
0x21: {  	s3 =	sadd.s32 s3, s9;
	s6 =	sadd.s32 @!p0 $0x88, s6;
	s7 =	simm.s32 @p2 $0x1082  }
0x22: {  	[simem:s7], [sflag:s8] =	dma.local @!p0 [hbm:s6], $0xF7A  }
0x23: {  	s9 =	sor.u32 $0xD0000000, s2;
	s6 =	simm.s32 $0x108;
	_ =	swait.ge @!p0 [sflag:s8], $0x0  }
0x24: {  	s3 =	sadd.s32 $0x88, s3;
	s6 =	simm.s32 @!p1 $0x1082;
	[sflag:s4] =	ssyncset.s32 $0xFFFFF086  }
0x25: {  	[simem:s6], [sflag:s4] =	dma.local [hbm:s3], $0xF7A  }
0x26: {  	[smem:$0x3F9F] =	sst s1;
	(tag) =	ssettag s2;
	_ =	strace s9  }
0x27: {  	s1 =	sld [smem:$0x3FAF]  }
0x28: {  	s2 =	sld [smem:$0x3FB0]  }
0x29: {  	s4 =	sld [smem:$0x3FB2]  }
0x2a: {  	p0 =	seq.s32 s5, $0x0;
	s5 =	sld [smem:$0x3FB3]  }
0x2b: {  	s6 =	sld [smem:$0x3FB4]  }
0x2c: {  	s7 =	sld [smem:$0x3FB5]  }
0x2d: {  	s3 =	simm.s32 $0x108;
	s8 =	sld [smem:$0x3FB6]  }
0x2e: {  	s3 =	simm.s32 @!p0 $0x1082;
	s9 =	sld [smem:$0x3FB7]  }
0x2f: {  	lr =	sadd.s32 s0, s3;
	s0 =	sld [smem:$0x3FAE]  }
0x30: {  	s3 =	sld [smem:$0x3FB1]  }
0x31: {  	[smem:$0x3FBA] =	sst s10  }
0x32: {  	s10 =	sld [smem:$0x3FB8];
	_ =	sdelay $0x3  }
0x33: {  	p0 =	seq.s32 s10, $0x1;
	s10 =	sld [smem:$0x3FBA];
	_ =	sdelay $0x3  }
0x34: {  	[smem:$0x3FBA] =	sst s10  }
0x35: {  	s10 =	sld [smem:$0x3FB9];
	_ =	sdelay $0x3  }
0x36: {  	p1 =	seq.s32 s10, $0x1;
	s10 =	sld [smem:$0x3FBA];
	_ =	sdelay $0x3  }
0x37: {  	[smem:$0x3FBA] =	sst s10  }
0x38: {  	s10 =	sld [smem:$0x3FBB]  }
0x39: {  	_ = 	snop;
	(pc) =	sbr.ind lr, $3  }
0x3a: {  	_ = 	snop  }
0x3b: {  	_ = 	snop  }
0x3c: {  	p2 =	seq.s32 s10, $0x1;
	s10 =	sld [smem:$0x3FBA]  }
0x3d: {  	_ =	shalt  }
0x3e: {  	_ =	shalt  }
0x3f: {  	_ =	shalt  }
0x40: {  	_ =	shalt  }
0x41: {  	_ =	shalt  }
0x42: {  	_ =	shalt  }
0x43: {  	_ =	shalt  }
0x44: {  	_ =	shalt  }
0x45: {  	_ =	shalt  }
0x46: {  	_ =	shalt  }
0x47: {  	_ =	shalt  }
0x48: {  	_ =	shalt  }
0x49: {  	_ =	shalt  }
0x4a: {  	_ =	shalt  }
0x4b: {  	_ =	shalt  }
0x4c: {  	_ =	shalt  }
0x4d: {  	_ =	shalt  }
0x4e: {  	_ =	shalt  }
0x4f: {  	_ =	shalt  }
0x50: {  	_ =	shalt  }
0x51: {  	_ =	shalt  }
0x52: {  	_ =	shalt  }
0x53: {  	_ =	shalt  }
0x54: {  	_ =	shalt  }
0x55: {  	_ =	shalt  }
0x56: {  	_ =	shalt  }
0x57: {  	_ =	shalt  }
0x58: {  	_ =	shalt  }
0x59: {  	_ =	shalt  }
0x5a: {  	_ =	shalt  }
0x5b: {  	_ =	shalt  }
0x5c: {  	_ =	shalt  }
0x5d: {  	_ =	shalt  }
0x5e: {  	_ =	shalt  }
0x5f: {  	_ =	shalt  }
0x60: {  	_ =	shalt  }
0x61: {  	_ =	shalt  }
0x62: {  	_ =	shalt  }
0x63: {  	_ =	shalt  }
0x64: {  	_ =	shalt  }
0x65: {  	_ =	shalt  }
0x66: {  	_ =	shalt  }
0x67: {  	_ =	shalt  }
0x68: {  	_ =	shalt  }
0x69: {  	_ =	shalt  }
0x6a: {  	_ =	shalt  }
0x6b: {  	_ =	shalt  }
0x6c: {  	_ =	shalt  }
0x6d: {  	_ =	shalt  }
0x6e: {  	_ =	shalt  }
0x6f: {  	_ =	shalt  }
0x70: {  	_ =	shalt  }
0x71: {  	_ =	shalt  }
0x72: {  	_ =	shalt  }
0x73: {  	_ =	shalt  }
0x74: {  	_ =	shalt  }
0x75: {  	_ =	shalt  }
0x76: {  	_ =	shalt  }
0x77: {  	_ =	shalt  }
0x78: {  	_ =	shalt  }
0x79: {  	_ =	shalt  }
0x7a: {  	_ =	shalt  }
0x7b: {  	_ =	shalt  }
0x7c: {  	_ =	shalt  }
0x7d: {  	_ =	shalt  }
0x7e: {  	_ =	shalt  }
0x7f: {  	_ =	shalt  }
0x80: {  	_ =	shalt  }
0x81: {  	_ =	shalt  }
0x82: {  	_ =	shalt  }
0x83: {  	_ =	shalt  }
0x84: {  	_ =	shalt  }
0x85: {  	_ =	shalt  }
0x86: {  	_ =	shalt  }
0x87: {  	_ =	shalt  }
.Lfunc_end0:
.L_simem_size_0:
called_computation.1_lowered:
.L_overlay_start_0:
0x88: {  	s2 =	sld [smem:$0x3FD9]  }
0x89: {  	s3 =	sld [smem:$0x3FFE];
	_ =	sdelay $0x1  }
0x8a: {  	s1 =	srdreg.scid  }
0x8b: {  	s0 =	sand.u32 $0x1, s1  }
0x8c: {  	s17 =	sshll.u32 s0, $0xA;
	s2 =	sadd.s32 s3, s2  }
0x8d: {  	s2 =	sadd.s32 s2, s17  }
0x8e: {  	[smem:$0x3FC6] =	sst s2  }
0x8f: {  	_ = 	snop  }
0x90: {  	s2 =	sld [smem:$0x3FD0];
	(tm) =	ssettm $0x1  }
0x91: {  	s18 =	sld [smem:$0x3FFB];
	_ =	sdelay $0x3  }
0x92: {  	_ =	strace s18  }
0x93: {  	s3 =	sld [smem:$0x3FFC];
	_ =	sdelay $0x3  }
0x94: {  	_ =	strace s3  }
0x95: {  	s3 =	sld [smem:$0x3FFD];
	_ =	sdelay $0x3  }
0x96: {  	_ =	strace s3  }
0x97: {  	_ =	strace $0x8FFFFFFF  }
0x98: {  	s19 =	sld [smem:$0x3FDB];
	_ =	sdelay $0x1  }
0x99: {  	s4 =	simm.s32 $_scs_section_size  }
0x9a: {  	s5 =	simm.s32 $_size__tile_overlayer_lowered;
	s6 =	simm.s32 $_tile_overlayer_lowered  }
0x9b: {  	s22 =	simm.s32 $0x1BFF;
	s21 =	sshll.u32 s6, $0x1;
	s3 =	sadd.s32 s4, s19  }
0x9c: {  	s7 =	simm.s32 $0x0;
	s20 =	sshll.u32 s5, $0x1;
	s5 =	sadd.s32 s21, s3  }
0x9d: {  	[timem:s7], [sflag:s22] =	dma.local [hbm:s5], s20  }
0x9e: {  	_ =	swait.ge [sflag:s22], s20  }
0x9f: {  	s4 =	ssub.s32 $0x0, s20;
	[sflag:s22] =	ssyncset.done $0x0  }
0xa0: {  	[sflag:s22] =	ssyncadd.s32 s4;
	_ =	sdelay $0x1  }
0xa1: {  	s23 =	simm.s32 $0x1B8B  }
0xa2: {  	_ =	swait.ge [sflag:s23], $0x1  }
0xa3: {  	[sflag:s23] =	ssyncset.done $0x0  }
0xa4: {  	s25 =	simm.s32 $0x1B8E;
	s24 =	sld [smem:$0x3FFE];
	[sflag:s23] =	ssyncadd.s32 $0xFFFFFFFF  }
0xa5: {  	s26 =	simm.s32 $execute0_lowered;
	[smem:$0x3FD2] =	sst s25  }
0xa6: {  	s5 =	sshll.u32 s26, $0x1;
	_ =	strace $0x80000046;
	[dreg:$0x1] =	wrdreg $0xFFFFFFFF  }
0xa7: {  	s28 =	simm.s32 $_size_execute0_lowered;
	s3 =	sadd.s32 s3, s5;
	[dreg:$0x0] =	wrdreg $0x0  }
0xa8: {  	s5 =	sshll.u32 s28, $0x1;
	[dreg:$0x2] =	wrdreg s3  }
0xa9: {  	[dreg:$0x3] =	wrdreg s5  }
0xaa: {  	[dreg:$0x4] =	wrdreg $0xC0  }
0xab: {  	_ =	task [dreg:s7], $0x5FFFF  }
0xac: {  	[dreg:$0x1] =	wrdreg $0xFFFFFFFF  }
0xad: {  	[dreg:$0x0] =	wrdreg $0x60  }
0xae: {  	[dreg:$0x2] =	wrdreg s2  }
0xaf: {  	[dreg:$0x3] =	wrdreg s24  }
0xb0: {  	[dreg:$0x4] =	wrdreg $0x9  }
0xb1: {  	_ =	task.clear_ibuf [dreg:s7], $0x5FFFF;
	_ =	strace $0x90000046  }
0xb2: {  	s29 =	simm.s32 $0x9;
	_ =	strace $0x80000048  }
0xb3: {  	_ =	swait.ge [sflag:s29], $0x1  }
0xb4: {  	[sflag:s29] =	ssyncadd.s32 $0xFFFFFFFF  }
0xb5: {  	_ =	strace $0x90000048  }
0xb6: {  	_ =	sfence  }
0xb7: {  	s30 =	sld [smem:$0x0];
	_ =	sdelay $0x2  }
0xb8: {  	s31 =	sshll.u32 s1, $0xD;
	s1 =	sshrl.u32 s1, $0x2  }
0xb9: {  	s3 =	sand.u32 $0x4000, s31;
	s1 =	sadd.s32 s1, s30  }
0xba: {  	s0 =	sor.u32 s3, s0;
	s1 =	sshll.u32 s1, $0x11  }
0xbb: {  	s0 =	sor.u32 s1, s0  }
0xbc: {  	s0 =	sadd.s32 $0x8F2B, s0  }
0xbd: {  	[sflag:s0] =	ssyncadd.remote.s32 $0x1  }
0xbe: {  	_ =	sfence.sel $0xFFFF  }
0xbf: {  	[dreg:$0x0] =	wrdreg $0xFFFFFFFF;
	(pc) =	sbr.abs _section_cstart, $3  }
0xc0: {  	[dreg:$0x1] =	wrdreg $0xFFFFFFFF  }
0xc1: {  	_ =	task.clear_ibuf [dreg:s7], $0x2FFFF;
	_ =	strace $0x9FFFFFFF  }
0xc2: {  	(tm) =	ssettm $0x7FFFFFFF  }
0xc3: {  	_ =	shalt  }
tec
execute0_lowered:
.L_overlay_start_1:
0x0: {  	(tag) =	ssettag $0x1  }
0x1: {  	s0 =	rddreg [dreg:$0x0]  }
0x2: {  	s1 =	srdreg.scid;
	s2 =	stileid.u32  }
0x3: {  	s5 =	rddreg [dreg:$0x1];
	s26 =	simm.s32 $0x5;
	s28 =	simm.s32 $0xC8  }
0x4: {  	s1 =	sand.u32 $0x1, s1;
	s3 =	sshll.u32 s2, $0x1;
	s2 =	simm.s32 $0x0  }
0x5: {  	s4 =	sadd.s32 $0xA00, s5;
	s30 =	sadd.s32 $0xD80, s5;
	s6 =	sor.u32 s1, s3  }
0x6: {  	[smem:$0x7FF] =	sst s2;
	s1 =	ssub.s32 $0x2, s1;
	s3 =	sadd.s32 $0xF42E00, s5  }
0x7: {  	s5 =	sadd.s32 $0x1100, s5;
	s7 =	smul.u32 $0xC80, s6;
	_ =	strace $0x80000047  }
0x8: {  	s8 =	sshrl.u32 s1, $0x1;
	s9 =	smul.u32 $0x380000, s6;
	[dreg:$0x5] =	wrdreg s30  }
0x9: {  	s6 =	sshll.u32 s6, $0x9;
	[dreg:$0x6] =	wrdreg s5;
	s1 =	ssub.s32 s1, s8  }
0xa: {  	[dreg:$0x3] =	wrdreg s6;
	s0 =	sadd.s32 s0, s7;
	s29 =	sshrl.u32 s9, $0x3  }
0xb: {  	s31 =	smax.u32 s1, $0x1;
	[dreg:$0x4] =	wrdreg s0;
	s0 =	sadd.s32 s4, s29  }
0xc: {  	s1 =	simm.s32 $0x0;
	[dreg:$0x7] =	wrdreg s31;
	s9 =	sadd.s32 $0x6C800, s0  }
0xd: {  	s10 =	sadd.s32 $0x6CB80, s0;
	s11 =	sadd.s32 $0x6CF00, s0;
	s12 =	sadd.s32 $0x6D280, s0  }
0xe: {  	s13 =	sadd.s32 $0x6D600, s0;
	s14 =	sadd.s32 $0x6D980, s0;
	s15 =	sadd.s32 $0x6DD00, s0  }
0xf: {  	s16 =	sadd.s32 $0x6E080, s0;
	s17 =	sadd.s32 $0x6E400, s0;
	s18 =	sadd.s32 $0x6E780, s0  }
0x10: {  	s19 =	sadd.s32 $0x6EB00, s0;
	s20 =	sadd.s32 $0x6EE80, s0;
	s21 =	sadd.s32 $0x6F200, s0  }
0x11: {  	s22 =	sadd.s32 $0x6F580, s0;
	s23 =	sadd.s32 $0x6F900, s0;
	s24 =	sadd.s32 $0x6FC80, s0  }
.LBB2_1:
0x12: {  	[dreg:$0x8] =	wrdreg s1  }
0x13: {  	s0 =	rddreg [dreg:$0x4]  }
0x14: {  	[tilespmem:s2], [sflag:$0x5] =	stream.linear.gather [hbm4b:s0+s2], $0x6400, $0x38;
	[tilespmem:$0x1F400] =	vst v63  }
0x15: {  	_ =	swait.ge [sflag:s26], $0x6400  }
0x16: {  	[sflag:s26] =	ssyncset.done $0x0  }
0x17: {  	s6 =	simm.s32 $0x6400;
	[sflag:s26] =	ssyncadd.s32 $0xFFFF9C00  }
0x18: {  	[tilespmem:s6], [sflag:$0x1] =	stream.indirect.gather [hbm4b:s3+s28], $0x80, s2, s28, $0xb8;
	[tilespmem:$0x1F400] =	vst v63  }
0x19: {  	s7 =	simm.s32 $0xC800  }
0x1a: {  	[tilespmem:s7], [sflag:$0x2] =	stream.indirect.gather [hbm4b:s3+s28], $0x80, s28, s28, $0xb8;
	[tilespmem:$0x1F400] =	vst v63  }
0x1b: {  	s8 =	simm.s32 $0x190;
	s25 =	simm.s32 $0x12C00  }
0x1c: {  	[tilespmem:s25], [sflag:$0x3] =	stream.indirect.gather [hbm4b:s3+s28], $0x80, s8, s28, $0xb8;
	[tilespmem:$0x1F400] =	vst v63  }
0x1d: {  	s29 =	simm.s32 $0x258;
	s31 =	simm.s32 $0x19000;
	s30 =	simm.s32 $0x0  }
0x1e: {  	[tilespmem:s31], [sflag:$0x4] =	stream.indirect.gather [hbm4b:s3+s28], $0x80, s29, s28, $0xb8;
	[tilespmem:$0x1F400] =	vst v63  }
.LBB2_2:
0x1f: {  	s0 =	sshll.u32 s30, $0x4;
	s1 =	rddreg [dreg:$0x3]  }
0x20: {  	s1 =	sor.u32 s1, s0  }
0x21: {  	s29 =	simm.s32 $0x1;
	s31 =	smul.u32 $0x380, s1  }
0x22: {  	s6 =	simm.s32 $0x10;
	_ =	swait.ge [sflag:s29], $0x6400  }
0x23: {  	s8 =	simm.s32 $0x6480;
	[sflag:s29] =	ssyncset.done $0x0;
	s5 =	sadd.s32 s4, s31  }
0x24: {  	s0 =	simm.s32 $0x6400;
	[sflag:s29] =	ssyncadd.s32 $0xFFFF9C00;
	s25 =	sadd.s32 $0x0, s5  }
.LBB2_3:
0x25: {  	[hbm4b:s25+s2] =	stream.linear.scatter [tilespmem:s0], [sflag:$0x5], $0x40, $0x38;
	[tilespmem:$0x1F400] =	vst v63  }
0x26: {  	s7 =	smov.u32 s6;
	s0 =	smov.u32 s8;
	p0 =	sne.s32 s6, $0x310  }
.Ltmp0:
0x27: {  	s6 =	sadd.s32 $0x10, s6;
	(pc) =	sbr.rel @p0 .LBB2_3-.Ltmp0, $2  }
0x28: {  	_ =	sdelay $0x2  }
0x29: {  	s8 =	sadd.s32 $0x80, s8;
	s25 =	sadd.s32 s7, s5  }
0x2a: {  	[hbm4b:s25+s2] =	stream.linear.scatter [tilespmem:s0], [sflag:$0x5], $0x40, $0x38;
	[tilespmem:$0x1F400] =	vst v63  }
0x2b: {  	_ =	swait.ge [sflag:s26], $0xC80  }
0x2c: {  	s0 =	simm.s32 $0x7D00;
	s29 =	rddreg [dreg:$0x5]  }
0x2d: {  	s6 =	simm.s32 $0x10;
	[sflag:s26] =	ssyncset.done $0x0;
	s5 =	sadd.s32 s31, s29  }
0x2e: {  	s8 =	simm.s32 $0x7D80;
	[sflag:s26] =	ssyncadd.s32 $0xFFFFF380;
	s25 =	sadd.s32 $0x0, s5  }
.LBB2_5:
0x2f: {  	[hbm4b:s25+s2] =	stream.linear.scatter [tilespmem:s0], [sflag:$0x5], $0x40, $0x38;
	[tilespmem:$0x1F400] =	vst v63  }
0x30: {  	s7 =	smov.u32 s6;
	s0 =	smov.u32 s8;
	p0 =	sne.s32 s6, $0x310  }
.Ltmp1:
0x31: {  	s6 =	sadd.s32 $0x10, s6;
	(pc) =	sbr.rel @p0 .LBB2_5-.Ltmp1, $2  }
0x32: {  	_ =	sdelay $0x2  }
0x33: {  	s8 =	sadd.s32 $0x80, s8;
	s25 =	sadd.s32 s7, s5  }
0x34: {  	[hbm4b:s25+s2] =	stream.linear.scatter [tilespmem:s0], [sflag:$0x5], $0x40, $0x38;
	[tilespmem:$0x1F400] =	vst v63  }
0x35: {  	_ =	swait.ge [sflag:s26], $0xC80  }
0x36: {  	s0 =	simm.s32 $0x9600;
	s29 =	rddreg [dreg:$0x6]  }
0x37: {  	s6 =	simm.s32 $0x10;
	[sflag:s26] =	ssyncset.done $0x0;
	s5 =	sadd.s32 s31, s29  }
0x38: {  	s8 =	simm.s32 $0x9680;
	[sflag:s26] =	ssyncadd.s32 $0xFFFFF380;
	s25 =	sadd.s32 $0x0, s5  }
.LBB2_7:
0x39: {  	[hbm4b:s25+s2] =	stream.linear.scatter [tilespmem:s0], [sflag:$0x5], $0x40, $0x38;
	[tilespmem:$0x1F400] =	vst v63  }
0x3a: {  	s7 =	smov.u32 s6;
	s0 =	smov.u32 s8;
	p0 =	sne.s32 s6, $0x310  }
.Ltmp2:
0x3b: {  	s6 =	sadd.s32 $0x10, s6;
	(pc) =	sbr.rel @p0 .LBB2_7-.Ltmp2, $2  }
0x3c: {  	_ =	sdelay $0x2  }
0x3d: {  	s8 =	sadd.s32 $0x80, s8;
	s25 =	sadd.s32 s7, s5  }
0x3e: {  	s5 =	smul.u32 $0x1C00, s1  }
0x3f: {  	[hbm4b:s25+s2] =	stream.linear.scatter [tilespmem:s0], [sflag:$0x5], $0x40, $0x38;
	[tilespmem:$0x1F400] =	vst v63  }
0x40: {  	s31 =	sshrl.u32 s5, $0x3  }
0x41: {  	s6 =	simm.s32 $0x10;
	_ =	swait.ge [sflag:s26], $0xC80;
	s0 =	sadd.s32 s4, s31  }
0x42: {  	s8 =	simm.s32 $0xAF80;
	[sflag:s26] =	ssyncset.done $0x0;
	s5 =	sadd.s32 $0xA80, s0  }
0x43: {  	[sflag:s26] =	ssyncadd.s32 $0xFFFFF380;
	s0 =	simm.s32 $0xAF00;
	s25 =	sadd.s32 $0x0, s5  }
.LBB2_9:
0x44: {  	[hbm4b:s25+s2] =	stream.linear.scatter [tilespmem:s0], [sflag:$0x5], $0x40, $0x38;
	[tilespmem:$0x1F400] =	vst v63  }
0x45: {  	s7 =	smov.u32 s6;
	s0 =	smov.u32 s8;
	p0 =	sne.s32 s6, $0x310  }
.Ltmp3:
0x46: {  	s6 =	sadd.s32 $0x10, s6;
	(pc) =	sbr.rel @p0 .LBB2_9-.Ltmp3, $2  }
0x47: {  	_ =	sdelay $0x2  }
0x48: {  	s8 =	sadd.s32 $0x80, s8;
	s25 =	sadd.s32 s7, s5  }
0x49: {  	[hbm4b:s25+s2] =	stream.linear.scatter [tilespmem:s0], [sflag:$0x5], $0x40, $0x38;
	[tilespmem:$0x1F400] =	vst v63  }
0x4a: {  	s8 =	smul.u32 $0xC80, s30  }
0x4b: {  	_ =	swait.ge [sflag:s26], $0xC80  }
0x4c: {  	[sflag:s26] =	ssyncset.done $0x0;
	s31 =	sshra.s32 s8, $0x2  }
0x4d: {  	s5 =	simm.s32 $0x6400;
	[sflag:s26] =	ssyncadd.s32 $0xFFFFF380;
	s0 =	sadd.s32 $0x320, s31  }
0x4e: {  	[tilespmem:s5], [sflag:$0x1] =	stream.indirect.gather [hbm4b:s3+s28], $0x80, s0, s28, $0xb8;
	[tilespmem:$0x1F400] =	vst v63  }
0x4f: {  	s6 =	simm.s32 $0x2;
	s5 =	sor.u32 $0x4, s1  }
0x50: {  	_ =	swait.ge [sflag:s6], $0x6400;
	s25 =	smul.u32 $0x380, s5  }
0x51: {  	[sflag:s6] =	ssyncset.done $0x0  }
0x52: {  	s0 =	simm.s32 $0xC800;
	[sflag:s6] =	ssyncadd.s32 $0xFFFF9C00;
	s8 =	sadd.s32 s4, s25  }
0x53: {  	s6 =	simm.s32 $0x10;
	s25 =	simm.s32 $0xC880;
	s29 =	sadd.s32 $0x0, s8  }
.LBB2_11:
0x54: {  	[hbm4b:s29+s2] =	stream.linear.scatter [tilespmem:s0], [sflag:$0x5], $0x40, $0x38;
	[tilespmem:$0x1F400] =	vst v63  }
0x55: {  	s7 =	smov.u32 s6;
	s0 =	smov.u32 s25;
	p0 =	sne.s32 s6, $0x310  }
.Ltmp4:
0x56: {  	s6 =	sadd.s32 $0x10, s6;
	(pc) =	sbr.rel @p0 .LBB2_11-.Ltmp4, $2  }
0x57: {  	_ =	sdelay $0x2  }
0x58: {  	s25 =	sadd.s32 $0x80, s25;
	s29 =	sadd.s32 s7, s8  }
0x59: {  	s5 =	smul.u32 $0x1C00, s5  }
0x5a: {  	[hbm4b:s29+s2] =	stream.linear.scatter [tilespmem:s0], [sflag:$0x5], $0x40, $0x38;
	[tilespmem:$0x1F400] =	vst v63  }
0x5b: {  	s25 =	sshrl.u32 s5, $0x3  }
0x5c: {  	s0 =	simm.s32 $0xE100;
	_ =	swait.ge [sflag:s26], $0xC80;
	s5 =	sadd.s32 s4, s25  }
0x5d: {  	s6 =	simm.s32 $0x10;
	[sflag:s26] =	ssyncset.done $0x0;
	s8 =	sadd.s32 $0x380, s5  }
0x5e: {  	[sflag:s26] =	ssyncadd.s32 $0xFFFFF380;
	s25 =	simm.s32 $0xE180;
	s29 =	sadd.s32 $0x0, s8  }
.LBB2_13:
0x5f: {  	[hbm4b:s29+s2] =	stream.linear.scatter [tilespmem:s0], [sflag:$0x5], $0x40, $0x38;
	[tilespmem:$0x1F400] =	vst v63  }
0x60: {  	s7 =	smov.u32 s6;
	s0 =	smov.u32 s25;
	p0 =	sne.s32 s6, $0x310  }
.Ltmp5:
0x61: {  	s6 =	sadd.s32 $0x10, s6;
	(pc) =	sbr.rel @p0 .LBB2_13-.Ltmp5, $2  }
0x62: {  	_ =	sdelay $0x2  }
0x63: {  	s25 =	sadd.s32 $0x80, s25;
	s29 =	sadd.s32 s7, s8  }
0x64: {  	[hbm4b:s29+s2] =	stream.linear.scatter [tilespmem:s0], [sflag:$0x5], $0x40, $0x38;
	[tilespmem:$0x1F400] =	vst v63  }
0x65: {  	s8 =	sadd.s32 $0x700, s5;
	_ =	swait.ge [sflag:s26], $0xC80  }
0x66: {  	s0 =	simm.s32 $0xFA00;
	s6 =	simm.s32 $0x10;
	[sflag:s26] =	ssyncset.done $0x0  }
0x67: {  	s25 =	simm.s32 $0xFA80;
	s29 =	sadd.s32 $0x0, s8;
	[sflag:s26] =	ssyncadd.s32 $0xFFFFF380  }
.LBB2_15:
0x68: {  	[hbm4b:s29+s2] =	stream.linear.scatter [tilespmem:s0], [sflag:$0x5], $0x40, $0x38;
	[tilespmem:$0x1F400] =	vst v63  }
0x69: {  	s7 =	smov.u32 s6;
	s0 =	smov.u32 s25;
	p0 =	sne.s32 s6, $0x310  }
.Ltmp6:
0x6a: {  	s6 =	sadd.s32 $0x10, s6;
	(pc) =	sbr.rel @p0 .LBB2_15-.Ltmp6, $2  }
0x6b: {  	_ =	sdelay $0x2  }
0x6c: {  	s25 =	sadd.s32 $0x80, s25;
	s29 =	sadd.s32 s7, s8  }
0x6d: {  	[hbm4b:s29+s2] =	stream.linear.scatter [tilespmem:s0], [sflag:$0x5], $0x40, $0x38;
	[tilespmem:$0x1F400] =	vst v63  }
0x6e: {  	s5 =	sadd.s32 $0xA80, s5;
	_ =	swait.ge [sflag:s26], $0xC80  }
0x6f: {  	s0 =	simm.s32 $0x11300;
	s6 =	simm.s32 $0x10;
	[sflag:s26] =	ssyncset.done $0x0  }
0x70: {  	s8 =	simm.s32 $0x11380;
	s25 =	sadd.s32 $0x0, s5;
	[sflag:s26] =	ssyncadd.s32 $0xFFFFF380  }
.LBB2_17:
0x71: {  	[hbm4b:s25+s2] =	stream.linear.scatter [tilespmem:s0], [sflag:$0x5], $0x40, $0x38;
	[tilespmem:$0x1F400] =	vst v63  }
0x72: {  	s7 =	smov.u32 s6;
	s0 =	smov.u32 s8;
	p0 =	sne.s32 s6, $0x310  }
.Ltmp7:
0x73: {  	s6 =	sadd.s32 $0x10, s6;
	(pc) =	sbr.rel @p0 .LBB2_17-.Ltmp7, $2  }
0x74: {  	_ =	sdelay $0x2  }
0x75: {  	s8 =	sadd.s32 $0x80, s8;
	s25 =	sadd.s32 s7, s5  }
0x76: {  	[hbm4b:s25+s2] =	stream.linear.scatter [tilespmem:s0], [sflag:$0x5], $0x40, $0x38;
	[tilespmem:$0x1F400] =	vst v63  }
0x77: {  	_ =	swait.ge [sflag:s26], $0xC80  }
0x78: {  	[sflag:s26] =	ssyncset.done $0x0  }
0x79: {  	s8 =	sadd.s32 $0x3E8, s31;
	s5 =	simm.s32 $0xC800;
	[sflag:s26] =	ssyncadd.s32 $0xFFFFF380  }
0x7a: {  	[tilespmem:s5], [sflag:$0x2] =	stream.indirect.gather [hbm4b:s3+s28], $0x80, s8, s28, $0xb8;
	[tilespmem:$0x1F400] =	vst v63  }
0x7b: {  	s5 =	sor.u32 $0x8, s1  }
0x7c: {  	s25 =	simm.s32 $0x3;
	s8 =	smul.u32 $0x380, s5  }
0x7d: {  	s6 =	simm.s32 $0x12C00;
	_ =	swait.ge [sflag:s25], $0x6400  }
0x7e: {  	s29 =	simm.s32 $0x12C80;
	[sflag:s25] =	ssyncset.done $0x0;
	s0 =	sadd.s32 s4, s8  }
0x7f: {  	[sflag:s25] =	ssyncadd.s32 $0xFFFF9C00;
	s25 =	simm.s32 $0x10;
	s7 =	sadd.s32 $0x0, s0  }
.LBB2_19:
0x80: {  	[hbm4b:s7+s2] =	stream.linear.scatter [tilespmem:s6], [sflag:$0x5], $0x40, $0x38;
	[tilespmem:$0x1F400] =	vst v63  }
0x81: {  	s7 =	smov.u32 s25;
	s6 =	smov.u32 s29;
	p0 =	sne.s32 s25, $0x310  }
.Ltmp8:
0x82: {  	s25 =	sadd.s32 $0x10, s25;
	(pc) =	sbr.rel @p0 .LBB2_19-.Ltmp8, $2  }
0x83: {  	_ =	sdelay $0x2  }
0x84: {  	s29 =	sadd.s32 $0x80, s29;
	s7 =	sadd.s32 s7, s0  }
0x85: {  	[hbm4b:s7+s2] =	stream.linear.scatter [tilespmem:s6], [sflag:$0x5], $0x40, $0x38;
	[tilespmem:$0x1F400] =	vst v63  }
0x86: {  	_ =	swait.ge [sflag:s26], $0xC80  }
0x87: {  	s6 =	simm.s32 $0x10;
	s0 =	rddreg [dreg:$0x5]  }
0x88: {  	s25 =	simm.s32 $0x14580;
	[sflag:s26] =	ssyncset.done $0x0;
	s0 =	sadd.s32 s8, s0  }
0x89: {  	[sflag:s26] =	ssyncadd.s32 $0xFFFFF380;
	s8 =	simm.s32 $0x14500;
	s29 =	sadd.s32 $0x0, s0  }
.LBB2_21:
0x8a: {  	[hbm4b:s29+s2] =	stream.linear.scatter [tilespmem:s8], [sflag:$0x5], $0x40, $0x38;
	[tilespmem:$0x1F400] =	vst v63  }
0x8b: {  	s7 =	smov.u32 s6;
	s8 =	smov.u32 s25;
	p0 =	sne.s32 s6, $0x310  }
.Ltmp9:
0x8c: {  	s6 =	sadd.s32 $0x10, s6;
	(pc) =	sbr.rel @p0 .LBB2_21-.Ltmp9, $2  }
0x8d: {  	_ =	sdelay $0x2  }
0x8e: {  	s25 =	sadd.s32 $0x80, s25;
	s29 =	sadd.s32 s7, s0  }
0x8f: {  	s0 =	smul.u32 $0x1C00, s5  }
0x90: {  	[hbm4b:s29+s2] =	stream.linear.scatter [tilespmem:s8], [sflag:$0x5], $0x40, $0x38;
	[tilespmem:$0x1F400] =	vst v63  }
0x91: {  	s0 =	sshrl.u32 s0, $0x3  }
0x92: {  	s6 =	simm.s32 $0x15E00;
	_ =	swait.ge [sflag:s26], $0xC80;
	s5 =	sadd.s32 s4, s0  }
0x93: {  	s8 =	simm.s32 $0x10;
	[sflag:s26] =	ssyncset.done $0x0;
	s0 =	sadd.s32 $0x700, s5  }
0x94: {  	s25 =	simm.s32 $0x15E80;
	[sflag:s26] =	ssyncadd.s32 $0xFFFFF380;
	s7 =	sadd.s32 $0x0, s0  }
.LBB2_23:
0x95: {  	[hbm4b:s7+s2] =	stream.linear.scatter [tilespmem:s6], [sflag:$0x5], $0x40, $0x38;
	[tilespmem:$0x1F400] =	vst v63  }
0x96: {  	s7 =	smov.u32 s8;
	s6 =	smov.u32 s25;
	p0 =	sne.s32 s8, $0x310  }
.Ltmp10:
0x97: {  	s8 =	sadd.s32 $0x10, s8;
	(pc) =	sbr.rel @p0 .LBB2_23-.Ltmp10, $2  }
0x98: {  	_ =	sdelay $0x2  }
0x99: {  	s25 =	sadd.s32 $0x80, s25;
	s7 =	sadd.s32 s7, s0  }
0x9a: {  	[hbm4b:s7+s2] =	stream.linear.scatter [tilespmem:s6], [sflag:$0x5], $0x40, $0x38;
	[tilespmem:$0x1F400] =	vst v63  }
0x9b: {  	s0 =	sadd.s32 $0xA80, s5;
	_ =	swait.ge [sflag:s26], $0xC80  }
0x9c: {  	s5 =	simm.s32 $0x17700;
	s6 =	simm.s32 $0x10;
	[sflag:s26] =	ssyncset.done $0x0  }
0x9d: {  	s8 =	simm.s32 $0x17780;
	s7 =	sadd.s32 $0x0, s0;
	[sflag:s26] =	ssyncadd.s32 $0xFFFFF380  }
.LBB2_25:
0x9e: {  	[hbm4b:s7+s2] =	stream.linear.scatter [tilespmem:s5], [sflag:$0x5], $0x40, $0x38;
	[tilespmem:$0x1F400] =	vst v63  }
0x9f: {  	s7 =	smov.u32 s6;
	s5 =	smov.u32 s8;
	p0 =	sne.s32 s6, $0x310  }
.Ltmp11:
0xa0: {  	s6 =	sadd.s32 $0x10, s6;
	(pc) =	sbr.rel @p0 .LBB2_25-.Ltmp11, $2  }
0xa1: {  	_ =	sdelay $0x2  }
0xa2: {  	s8 =	sadd.s32 $0x80, s8;
	s7 =	sadd.s32 s7, s0  }
0xa3: {  	[hbm4b:s7+s2] =	stream.linear.scatter [tilespmem:s5], [sflag:$0x5], $0x40, $0x38;
	[tilespmem:$0x1F400] =	vst v63  }
0xa4: {  	s0 =	sadd.s32 $0x4B0, s31;
	_ =	swait.ge [sflag:s26], $0xC80  }
0xa5: {  	s8 =	simm.s32 $0x12C00;
	s1 =	sor.u32 $0xC, s1;
	[sflag:s26] =	ssyncset.done $0x0  }
0xa6: {  	s25 =	simm.s32 $0x4;
	s29 =	smul.u32 $0x380, s1;
	[sflag:s26] =	ssyncadd.s32 $0xFFFFF380  }
0xa7: {  	[tilespmem:s8], [sflag:$0x3] =	stream.indirect.gather [hbm4b:s3+s28], $0x80, s0, s28, $0xb8;
	[tilespmem:$0x1F400] =	vst v63  }
0xa8: {  	s5 =	simm.s32 $0x19000;
	_ =	swait.ge [sflag:s25], $0x6400  }
0xa9: {  	s6 =	simm.s32 $0x10;
	s0 =	sadd.s32 s4, s29;
	[sflag:s25] =	ssyncset.done $0x0  }
0xaa: {  	s8 =	simm.s32 $0x19080;
	[sflag:s25] =	ssyncadd.s32 $0xFFFF9C00;
	s25 =	sadd.s32 $0x0, s0  }
.LBB2_27:
0xab: {  	[hbm4b:s25+s2] =	stream.linear.scatter [tilespmem:s5], [sflag:$0x5], $0x40, $0x38;
	[tilespmem:$0x1F400] =	vst v63  }
0xac: {  	s7 =	smov.u32 s6;
	s5 =	smov.u32 s8;
	p0 =	sne.s32 s6, $0x310  }
.Ltmp12:
0xad: {  	s6 =	sadd.s32 $0x10, s6;
	(pc) =	sbr.rel @p0 .LBB2_27-.Ltmp12, $2  }
0xae: {  	_ =	sdelay $0x2  }
0xaf: {  	s8 =	sadd.s32 $0x80, s8;
	s25 =	sadd.s32 s7, s0  }
0xb0: {  	s0 =	smul.u32 $0x1C00, s1  }
0xb1: {  	[hbm4b:s25+s2] =	stream.linear.scatter [tilespmem:s5], [sflag:$0x5], $0x40, $0x38;
	[tilespmem:$0x1F400] =	vst v63  }
0xb2: {  	s0 =	sshrl.u32 s0, $0x3  }
0xb3: {  	s5 =	simm.s32 $0x1A900;
	_ =	swait.ge [sflag:s26], $0xC80;
	s1 =	sadd.s32 s4, s0  }
0xb4: {  	s6 =	simm.s32 $0x10;
	[sflag:s26] =	ssyncset.done $0x0;
	s0 =	sadd.s32 $0x380, s1  }
0xb5: {  	s8 =	simm.s32 $0x1A980;
	[sflag:s26] =	ssyncadd.s32 $0xFFFFF380;
	s7 =	sadd.s32 $0x0, s0  }
.LBB2_29:
0xb6: {  	[hbm4b:s7+s2] =	stream.linear.scatter [tilespmem:s5], [sflag:$0x5], $0x40, $0x38;
	[tilespmem:$0x1F400] =	vst v63  }
0xb7: {  	s7 =	smov.u32 s6;
	s5 =	smov.u32 s8;
	p0 =	sne.s32 s6, $0x310  }
.Ltmp13:
0xb8: {  	s6 =	sadd.s32 $0x10, s6;
	(pc) =	sbr.rel @p0 .LBB2_29-.Ltmp13, $2  }
0xb9: {  	_ =	sdelay $0x2  }
0xba: {  	s8 =	sadd.s32 $0x80, s8;
	s7 =	sadd.s32 s7, s0  }
0xbb: {  	[hbm4b:s7+s2] =	stream.linear.scatter [tilespmem:s5], [sflag:$0x5], $0x40, $0x38;
	[tilespmem:$0x1F400] =	vst v63  }
0xbc: {  	s0 =	sadd.s32 $0x700, s1;
	_ =	swait.ge [sflag:s26], $0xC80  }
0xbd: {  	s5 =	simm.s32 $0x1C200;
	s6 =	simm.s32 $0x10;
	[sflag:s26] =	ssyncset.done $0x0  }
0xbe: {  	s8 =	simm.s32 $0x1C280;
	s7 =	sadd.s32 $0x0, s0;
	[sflag:s26] =	ssyncadd.s32 $0xFFFFF380  }
.LBB2_31:
0xbf: {  	[hbm4b:s7+s2] =	stream.linear.scatter [tilespmem:s5], [sflag:$0x5], $0x40, $0x38;
	[tilespmem:$0x1F400] =	vst v63  }
0xc0: {  	s7 =	smov.u32 s6;
	s5 =	smov.u32 s8;
	p0 =	sne.s32 s6, $0x310  }
.Ltmp14:
0xc1: {  	s6 =	sadd.s32 $0x10, s6;
	(pc) =	sbr.rel @p0 .LBB2_31-.Ltmp14, $2  }
0xc2: {  	_ =	sdelay $0x2  }
0xc3: {  	s8 =	sadd.s32 $0x80, s8;
	s7 =	sadd.s32 s7, s0  }
0xc4: {  	[hbm4b:s7+s2] =	stream.linear.scatter [tilespmem:s5], [sflag:$0x5], $0x40, $0x38;
	[tilespmem:$0x1F400] =	vst v63  }
0xc5: {  	s0 =	sadd.s32 $0xA80, s1;
	_ =	swait.ge [sflag:s26], $0xC80  }
0xc6: {  	s1 =	simm.s32 $0x1DB00;
	s5 =	simm.s32 $0x10;
	[sflag:s26] =	ssyncset.done $0x0  }
0xc7: {  	s6 =	simm.s32 $0x1DB80;
	s7 =	sadd.s32 $0x0, s0;
	[sflag:s26] =	ssyncadd.s32 $0xFFFFF380  }
.LBB2_33:
0xc8: {  	[hbm4b:s7+s2] =	stream.linear.scatter [tilespmem:s1], [sflag:$0x5], $0x40, $0x38;
	[tilespmem:$0x1F400] =	vst v63  }
0xc9: {  	s7 =	smov.u32 s5;
	s1 =	smov.u32 s6;
	p0 =	sne.s32 s5, $0x310  }
.Ltmp15:
0xca: {  	s5 =	sadd.s32 $0x10, s5;
	(pc) =	sbr.rel @p0 .LBB2_33-.Ltmp15, $2  }
0xcb: {  	_ =	sdelay $0x2  }
0xcc: {  	s6 =	sadd.s32 $0x80, s6;
	s7 =	sadd.s32 s7, s0  }
0xcd: {  	[hbm4b:s7+s2] =	stream.linear.scatter [tilespmem:s1], [sflag:$0x5], $0x40, $0x38;
	[tilespmem:$0x1F400] =	vst v63  }
0xce: {  	s30 =	sadd.s32 $0x1, s30  }
0xcf: {  	p0 =	sne.s32 s30, $0x1F  }
.Ltmp16:
0xd0: {  	_ = 	snop;
	(pc) =	sbr.rel @p0 .LBB2_2-.Ltmp16, $4  }
0xd1: {  	_ =	swait.ge [sflag:s26], $0xC80  }
0xd2: {  	[sflag:s26] =	ssyncset.done $0x0  }
0xd3: {  	s0 =	sadd.s32 $0x578, s31;
	s31 =	simm.s32 $0x19000;
	[sflag:s26] =	ssyncadd.s32 $0xFFFFF380  }
0xd4: {  	[tilespmem:s31], [sflag:$0x4] =	stream.indirect.gather [hbm4b:s3+s28], $0x80, s0, s28, $0xb8;
	[tilespmem:$0x1F400] =	vst v63  }
0xd5: {  	s0 =	simm.s32 $0x1  }
0xd6: {  	_ =	swait.ge [sflag:s0], $0x6400  }
0xd7: {  	s1 =	simm.s32 $0x10;
	s6 =	sadd.s32 $0x0, s9;
	[sflag:s0] =	ssyncset.done $0x0  }
0xd8: {  	s5 =	simm.s32 $0x6480;
	[sflag:s0] =	ssyncadd.s32 $0xFFFF9C00;
	s0 =	simm.s32 $0x6400  }
.LBB2_36:
0xd9: {  	[hbm4b:s6+s2] =	stream.linear.scatter [tilespmem:s0], [sflag:$0x5], $0x40, $0x38;
	[tilespmem:$0x1F400] =	vst v63  }
0xda: {  	s6 =	smov.u32 s1;
	s0 =	smov.u32 s5;
	p0 =	sne.s32 s1, $0x310  }
.Ltmp17:
0xdb: {  	s1 =	sadd.s32 $0x10, s1;
	(pc) =	sbr.rel @p0 .LBB2_36-.Ltmp17, $2  }
0xdc: {  	_ =	sdelay $0x2  }
0xdd: {  	s5 =	sadd.s32 $0x80, s5;
	s6 =	sadd.s32 s6, s9  }
0xde: {  	[hbm4b:s6+s2] =	stream.linear.scatter [tilespmem:s0], [sflag:$0x5], $0x40, $0x38;
	[tilespmem:$0x1F400] =	vst v63  }
0xdf: {  	_ =	swait.ge [sflag:s26], $0xC80  }
0xe0: {  	s0 =	simm.s32 $0x7D00;
	s1 =	simm.s32 $0x10;
	[sflag:s26] =	ssyncset.done $0x0  }
0xe1: {  	s6 =	sadd.s32 $0x0, s10;
	s5 =	simm.s32 $0x7D80;
	[sflag:s26] =	ssyncadd.s32 $0xFFFFF380  }
.LBB2_38:
0xe2: {  	[hbm4b:s6+s2] =	stream.linear.scatter [tilespmem:s0], [sflag:$0x5], $0x40, $0x38;
	[tilespmem:$0x1F400] =	vst v63  }
0xe3: {  	s6 =	smov.u32 s1;
	s0 =	smov.u32 s5;
	p0 =	sne.s32 s1, $0x310  }
.Ltmp18:
0xe4: {  	s1 =	sadd.s32 $0x10, s1;
	(pc) =	sbr.rel @p0 .LBB2_38-.Ltmp18, $2  }
0xe5: {  	_ =	sdelay $0x2  }
0xe6: {  	s5 =	sadd.s32 $0x80, s5;
	s6 =	sadd.s32 s6, s10  }
0xe7: {  	[hbm4b:s6+s2] =	stream.linear.scatter [tilespmem:s0], [sflag:$0x5], $0x40, $0x38;
	[tilespmem:$0x1F400] =	vst v63  }
0xe8: {  	_ =	swait.ge [sflag:s26], $0xC80  }
0xe9: {  	s0 =	simm.s32 $0x9600;
	s1 =	simm.s32 $0x10;
	[sflag:s26] =	ssyncset.done $0x0  }
0xea: {  	s6 =	sadd.s32 $0x0, s11;
	s5 =	simm.s32 $0x9680;
	[sflag:s26] =	ssyncadd.s32 $0xFFFFF380  }
.LBB2_40:
0xeb: {  	[hbm4b:s6+s2] =	stream.linear.scatter [tilespmem:s0], [sflag:$0x5], $0x40, $0x38;
	[tilespmem:$0x1F400] =	vst v63  }
0xec: {  	s6 =	smov.u32 s1;
	s0 =	smov.u32 s5;
	p0 =	sne.s32 s1, $0x310  }
.Ltmp19:
0xed: {  	s1 =	sadd.s32 $0x10, s1;
	(pc) =	sbr.rel @p0 .LBB2_40-.Ltmp19, $2  }
0xee: {  	_ =	sdelay $0x2  }
0xef: {  	s5 =	sadd.s32 $0x80, s5;
	s6 =	sadd.s32 s6, s11  }
0xf0: {  	[hbm4b:s6+s2] =	stream.linear.scatter [tilespmem:s0], [sflag:$0x5], $0x40, $0x38;
	[tilespmem:$0x1F400] =	vst v63  }
0xf1: {  	_ =	swait.ge [sflag:s26], $0xC80  }
0xf2: {  	s0 =	simm.s32 $0xAF00;
	s1 =	simm.s32 $0x10;
	[sflag:s26] =	ssyncset.done $0x0  }
0xf3: {  	s6 =	sadd.s32 $0x0, s12;
	s5 =	simm.s32 $0xAF80;
	[sflag:s26] =	ssyncadd.s32 $0xFFFFF380  }
.LBB2_42:
0xf4: {  	[hbm4b:s6+s2] =	stream.linear.scatter [tilespmem:s0], [sflag:$0x5], $0x40, $0x38;
	[tilespmem:$0x1F400] =	vst v63  }
0xf5: {  	s6 =	smov.u32 s1;
	s0 =	smov.u32 s5;
	p0 =	sne.s32 s1, $0x310  }
.Ltmp20:
0xf6: {  	s1 =	sadd.s32 $0x10, s1;
	(pc) =	sbr.rel @p0 .LBB2_42-.Ltmp20, $2  }
0xf7: {  	_ =	sdelay $0x2  }
0xf8: {  	s5 =	sadd.s32 $0x80, s5;
	s6 =	sadd.s32 s6, s12  }
0xf9: {  	[hbm4b:s6+s2] =	stream.linear.scatter [tilespmem:s0], [sflag:$0x5], $0x40, $0x38;
	[tilespmem:$0x1F400] =	vst v63  }
0xfa: {  	_ =	swait.ge [sflag:s26], $0xC80  }
0xfb: {  	[sflag:s26] =	ssyncset.done $0x0  }
0xfc: {  	s31 =	simm.s32 $0x2;
	[sflag:s26] =	ssyncadd.s32 $0xFFFFF380  }
0xfd: {  	_ =	swait.ge [sflag:s31], $0x6400  }
0xfe: {  	s0 =	simm.s32 $0xC800;
	s1 =	simm.s32 $0x10;
	[sflag:s31] =	ssyncset.done $0x0  }
0xff: {  	s6 =	sadd.s32 $0x0, s13;
	s5 =	simm.s32 $0xC880;
	[sflag:s31] =	ssyncadd.s32 $0xFFFF9C00  }
.LBB2_44:
0x100: {  	[hbm4b:s6+s2] =	stream.linear.scatter [tilespmem:s0], [sflag:$0x5], $0x40, $0x38;
	[tilespmem:$0x1F400] =	vst v63  }
0x101: {  	s6 =	smov.u32 s1;
	s0 =	smov.u32 s5;
	p0 =	sne.s32 s1, $0x310  }
.Ltmp21:
0x102: {  	s1 =	sadd.s32 $0x10, s1;
	(pc) =	sbr.rel @p0 .LBB2_44-.Ltmp21, $2  }
0x103: {  	_ =	sdelay $0x2  }
0x104: {  	s5 =	sadd.s32 $0x80, s5;
	s6 =	sadd.s32 s6, s13  }
0x105: {  	[hbm4b:s6+s2] =	stream.linear.scatter [tilespmem:s0], [sflag:$0x5], $0x40, $0x38;
	[tilespmem:$0x1F400] =	vst v63  }
0x106: {  	_ =	swait.ge [sflag:s26], $0xC80  }
0x107: {  	s0 =	simm.s32 $0xE100;
	s1 =	simm.s32 $0x10;
	[sflag:s26] =	ssyncset.done $0x0  }
0x108: {  	s6 =	sadd.s32 $0x0, s14;
	s5 =	simm.s32 $0xE180;
	[sflag:s26] =	ssyncadd.s32 $0xFFFFF380  }
.LBB2_46:
0x109: {  	[hbm4b:s6+s2] =	stream.linear.scatter [tilespmem:s0], [sflag:$0x5], $0x40, $0x38;
	[tilespmem:$0x1F400] =	vst v63  }
0x10a: {  	s6 =	smov.u32 s1;
	s0 =	smov.u32 s5;
	p0 =	sne.s32 s1, $0x310  }
.Ltmp22:
0x10b: {  	s1 =	sadd.s32 $0x10, s1;
	(pc) =	sbr.rel @p0 .LBB2_46-.Ltmp22, $2  }
0x10c: {  	_ =	sdelay $0x2  }
0x10d: {  	s5 =	sadd.s32 $0x80, s5;
	s6 =	sadd.s32 s6, s14  }
0x10e: {  	[hbm4b:s6+s2] =	stream.linear.scatter [tilespmem:s0], [sflag:$0x5], $0x40, $0x38;
	[tilespmem:$0x1F400] =	vst v63  }
0x10f: {  	_ =	swait.ge [sflag:s26], $0xC80  }
0x110: {  	s0 =	simm.s32 $0xFA00;
	s1 =	simm.s32 $0x10;
	[sflag:s26] =	ssyncset.done $0x0  }
0x111: {  	s6 =	sadd.s32 $0x0, s15;
	s5 =	simm.s32 $0xFA80;
	[sflag:s26] =	ssyncadd.s32 $0xFFFFF380  }
.LBB2_48:
0x112: {  	[hbm4b:s6+s2] =	stream.linear.scatter [tilespmem:s0], [sflag:$0x5], $0x40, $0x38;
	[tilespmem:$0x1F400] =	vst v63  }
0x113: {  	s6 =	smov.u32 s1;
	s0 =	smov.u32 s5;
	p0 =	sne.s32 s1, $0x310  }
.Ltmp23:
0x114: {  	s1 =	sadd.s32 $0x10, s1;
	(pc) =	sbr.rel @p0 .LBB2_48-.Ltmp23, $2  }
0x115: {  	_ =	sdelay $0x2  }
0x116: {  	s5 =	sadd.s32 $0x80, s5;
	s6 =	sadd.s32 s6, s15  }
0x117: {  	[hbm4b:s6+s2] =	stream.linear.scatter [tilespmem:s0], [sflag:$0x5], $0x40, $0x38;
	[tilespmem:$0x1F400] =	vst v63  }
0x118: {  	_ =	swait.ge [sflag:s26], $0xC80  }
0x119: {  	s0 =	simm.s32 $0x11300;
	s1 =	simm.s32 $0x10;
	[sflag:s26] =	ssyncset.done $0x0  }
0x11a: {  	s6 =	sadd.s32 $0x0, s16;
	s5 =	simm.s32 $0x11380;
	[sflag:s26] =	ssyncadd.s32 $0xFFFFF380  }
.LBB2_50:
0x11b: {  	[hbm4b:s6+s2] =	stream.linear.scatter [tilespmem:s0], [sflag:$0x5], $0x40, $0x38;
	[tilespmem:$0x1F400] =	vst v63  }
0x11c: {  	s6 =	smov.u32 s1;
	s0 =	smov.u32 s5;
	p0 =	sne.s32 s1, $0x310  }
.Ltmp24:
0x11d: {  	s1 =	sadd.s32 $0x10, s1;
	(pc) =	sbr.rel @p0 .LBB2_50-.Ltmp24, $2  }
0x11e: {  	_ =	sdelay $0x2  }
0x11f: {  	s5 =	sadd.s32 $0x80, s5;
	s6 =	sadd.s32 s6, s16  }
0x120: {  	[hbm4b:s6+s2] =	stream.linear.scatter [tilespmem:s0], [sflag:$0x5], $0x40, $0x38;
	[tilespmem:$0x1F400] =	vst v63  }
0x121: {  	_ =	swait.ge [sflag:s26], $0xC80  }
0x122: {  	[sflag:s26] =	ssyncset.done $0x0  }
0x123: {  	s31 =	simm.s32 $0x3;
	[sflag:s26] =	ssyncadd.s32 $0xFFFFF380  }
0x124: {  	_ =	swait.ge [sflag:s31], $0x6400  }
0x125: {  	s0 =	simm.s32 $0x12C00;
	s1 =	simm.s32 $0x10;
	[sflag:s31] =	ssyncset.done $0x0  }
0x126: {  	s6 =	sadd.s32 $0x0, s17;
	s5 =	simm.s32 $0x12C80;
	[sflag:s31] =	ssyncadd.s32 $0xFFFF9C00  }
.LBB2_52:
0x127: {  	[hbm4b:s6+s2] =	stream.linear.scatter [tilespmem:s0], [sflag:$0x5], $0x40, $0x38;
	[tilespmem:$0x1F400] =	vst v63  }
0x128: {  	s6 =	smov.u32 s1;
	s0 =	smov.u32 s5;
	p0 =	sne.s32 s1, $0x310  }
.Ltmp25:
0x129: {  	s1 =	sadd.s32 $0x10, s1;
	(pc) =	sbr.rel @p0 .LBB2_52-.Ltmp25, $2  }
0x12a: {  	_ =	sdelay $0x2  }
0x12b: {  	s5 =	sadd.s32 $0x80, s5;
	s6 =	sadd.s32 s6, s17  }
0x12c: {  	[hbm4b:s6+s2] =	stream.linear.scatter [tilespmem:s0], [sflag:$0x5], $0x40, $0x38;
	[tilespmem:$0x1F400] =	vst v63  }
0x12d: {  	_ =	swait.ge [sflag:s26], $0xC80  }
0x12e: {  	s0 =	simm.s32 $0x14500;
	s1 =	simm.s32 $0x10;
	[sflag:s26] =	ssyncset.done $0x0  }
0x12f: {  	s6 =	sadd.s32 $0x0, s18;
	s5 =	simm.s32 $0x14580;
	[sflag:s26] =	ssyncadd.s32 $0xFFFFF380  }
.LBB2_54:
0x130: {  	[hbm4b:s6+s2] =	stream.linear.scatter [tilespmem:s0], [sflag:$0x5], $0x40, $0x38;
	[tilespmem:$0x1F400] =	vst v63  }
0x131: {  	s6 =	smov.u32 s1;
	s0 =	smov.u32 s5;
	p0 =	sne.s32 s1, $0x310  }
.Ltmp26:
0x132: {  	s1 =	sadd.s32 $0x10, s1;
	(pc) =	sbr.rel @p0 .LBB2_54-.Ltmp26, $2  }
0x133: {  	_ =	sdelay $0x2  }
0x134: {  	s5 =	sadd.s32 $0x80, s5;
	s6 =	sadd.s32 s6, s18  }
0x135: {  	[hbm4b:s6+s2] =	stream.linear.scatter [tilespmem:s0], [sflag:$0x5], $0x40, $0x38;
	[tilespmem:$0x1F400] =	vst v63  }
0x136: {  	_ =	swait.ge [sflag:s26], $0xC80  }
0x137: {  	s0 =	simm.s32 $0x15E00;
	s1 =	simm.s32 $0x10;
	[sflag:s26] =	ssyncset.done $0x0  }
0x138: {  	s6 =	sadd.s32 $0x0, s19;
	s5 =	simm.s32 $0x15E80;
	[sflag:s26] =	ssyncadd.s32 $0xFFFFF380  }
.LBB2_56:
0x139: {  	[hbm4b:s6+s2] =	stream.linear.scatter [tilespmem:s0], [sflag:$0x5], $0x40, $0x38;
	[tilespmem:$0x1F400] =	vst v63  }
0x13a: {  	s6 =	smov.u32 s1;
	s0 =	smov.u32 s5;
	p0 =	sne.s32 s1, $0x310  }
.Ltmp27:
0x13b: {  	s1 =	sadd.s32 $0x10, s1;
	(pc) =	sbr.rel @p0 .LBB2_56-.Ltmp27, $2  }
0x13c: {  	_ =	sdelay $0x2  }
0x13d: {  	s5 =	sadd.s32 $0x80, s5;
	s6 =	sadd.s32 s6, s19  }
0x13e: {  	[hbm4b:s6+s2] =	stream.linear.scatter [tilespmem:s0], [sflag:$0x5], $0x40, $0x38;
	[tilespmem:$0x1F400] =	vst v63  }
0x13f: {  	_ =	swait.ge [sflag:s26], $0xC80  }
0x140: {  	s0 =	simm.s32 $0x17700;
	s1 =	simm.s32 $0x10;
	[sflag:s26] =	ssyncset.done $0x0  }
0x141: {  	s6 =	sadd.s32 $0x0, s20;
	s5 =	simm.s32 $0x17780;
	[sflag:s26] =	ssyncadd.s32 $0xFFFFF380  }
.LBB2_58:
0x142: {  	[hbm4b:s6+s2] =	stream.linear.scatter [tilespmem:s0], [sflag:$0x5], $0x40, $0x38;
	[tilespmem:$0x1F400] =	vst v63  }
0x143: {  	s6 =	smov.u32 s1;
	s0 =	smov.u32 s5;
	p0 =	sne.s32 s1, $0x310  }
.Ltmp28:
0x144: {  	s1 =	sadd.s32 $0x10, s1;
	(pc) =	sbr.rel @p0 .LBB2_58-.Ltmp28, $2  }
0x145: {  	_ =	sdelay $0x2  }
0x146: {  	s5 =	sadd.s32 $0x80, s5;
	s6 =	sadd.s32 s6, s20  }
0x147: {  	[hbm4b:s6+s2] =	stream.linear.scatter [tilespmem:s0], [sflag:$0x5], $0x40, $0x38;
	[tilespmem:$0x1F400] =	vst v63  }
0x148: {  	_ =	swait.ge [sflag:s26], $0xC80  }
0x149: {  	[sflag:s26] =	ssyncset.done $0x0  }
0x14a: {  	s31 =	simm.s32 $0x4;
	[sflag:s26] =	ssyncadd.s32 $0xFFFFF380  }
0x14b: {  	_ =	swait.ge [sflag:s31], $0x6400  }
0x14c: {  	s0 =	simm.s32 $0x19000;
	s1 =	simm.s32 $0x10;
	[sflag:s31] =	ssyncset.done $0x0  }
0x14d: {  	s6 =	sadd.s32 $0x0, s21;
	s5 =	simm.s32 $0x19080;
	[sflag:s31] =	ssyncadd.s32 $0xFFFF9C00  }
.LBB2_60:
0x14e: {  	[hbm4b:s6+s2] =	stream.linear.scatter [tilespmem:s0], [sflag:$0x5], $0x40, $0x38;
	[tilespmem:$0x1F400] =	vst v63  }
0x14f: {  	s6 =	smov.u32 s1;
	s0 =	smov.u32 s5;
	p0 =	sne.s32 s1, $0x310  }
.Ltmp29:
0x150: {  	s1 =	sadd.s32 $0x10, s1;
	(pc) =	sbr.rel @p0 .LBB2_60-.Ltmp29, $2  }
0x151: {  	_ =	sdelay $0x2  }
0x152: {  	s5 =	sadd.s32 $0x80, s5;
	s6 =	sadd.s32 s6, s21  }
0x153: {  	[hbm4b:s6+s2] =	stream.linear.scatter [tilespmem:s0], [sflag:$0x5], $0x40, $0x38;
	[tilespmem:$0x1F400] =	vst v63  }
0x154: {  	_ =	swait.ge [sflag:s26], $0xC80  }
0x155: {  	s0 =	simm.s32 $0x1A900;
	s1 =	simm.s32 $0x10;
	[sflag:s26] =	ssyncset.done $0x0  }
0x156: {  	s6 =	sadd.s32 $0x0, s22;
	s5 =	simm.s32 $0x1A980;
	[sflag:s26] =	ssyncadd.s32 $0xFFFFF380  }
.LBB2_62:
0x157: {  	[hbm4b:s6+s2] =	stream.linear.scatter [tilespmem:s0], [sflag:$0x5], $0x40, $0x38;
	[tilespmem:$0x1F400] =	vst v63  }
0x158: {  	s6 =	smov.u32 s1;
	s0 =	smov.u32 s5;
	p0 =	sne.s32 s1, $0x310  }
.Ltmp30:
0x159: {  	s1 =	sadd.s32 $0x10, s1;
	(pc) =	sbr.rel @p0 .LBB2_62-.Ltmp30, $2  }
0x15a: {  	_ =	sdelay $0x2  }
0x15b: {  	s5 =	sadd.s32 $0x80, s5;
	s6 =	sadd.s32 s6, s22  }
0x15c: {  	[hbm4b:s6+s2] =	stream.linear.scatter [tilespmem:s0], [sflag:$0x5], $0x40, $0x38;
	[tilespmem:$0x1F400] =	vst v63  }
0x15d: {  	_ =	swait.ge [sflag:s26], $0xC80  }
0x15e: {  	s0 =	simm.s32 $0x1C200;
	s1 =	simm.s32 $0x10;
	[sflag:s26] =	ssyncset.done $0x0  }
0x15f: {  	s6 =	sadd.s32 $0x0, s23;
	s5 =	simm.s32 $0x1C280;
	[sflag:s26] =	ssyncadd.s32 $0xFFFFF380  }
.LBB2_64:
0x160: {  	[hbm4b:s6+s2] =	stream.linear.scatter [tilespmem:s0], [sflag:$0x5], $0x40, $0x38;
	[tilespmem:$0x1F400] =	vst v63  }
0x161: {  	s6 =	smov.u32 s1;
	s0 =	smov.u32 s5;
	p0 =	sne.s32 s1, $0x310  }
.Ltmp31:
0x162: {  	s1 =	sadd.s32 $0x10, s1;
	(pc) =	sbr.rel @p0 .LBB2_64-.Ltmp31, $2  }
0x163: {  	_ =	sdelay $0x2  }
0x164: {  	s5 =	sadd.s32 $0x80, s5;
	s6 =	sadd.s32 s6, s23  }
0x165: {  	[hbm4b:s6+s2] =	stream.linear.scatter [tilespmem:s0], [sflag:$0x5], $0x40, $0x38;
	[tilespmem:$0x1F400] =	vst v63  }
0x166: {  	_ =	swait.ge [sflag:s26], $0xC80  }
0x167: {  	s0 =	simm.s32 $0x1DB00;
	s1 =	simm.s32 $0x10;
	[sflag:s26] =	ssyncset.done $0x0  }
0x168: {  	s6 =	sadd.s32 $0x0, s24;
	s5 =	simm.s32 $0x1DB80;
	[sflag:s26] =	ssyncadd.s32 $0xFFFFF380  }
.LBB2_66:
0x169: {  	[hbm4b:s6+s2] =	stream.linear.scatter [tilespmem:s0], [sflag:$0x5], $0x40, $0x38;
	[tilespmem:$0x1F400] =	vst v63  }
0x16a: {  	s6 =	smov.u32 s1;
	s0 =	smov.u32 s5;
	p0 =	sne.s32 s1, $0x310  }
.Ltmp32:
0x16b: {  	s1 =	sadd.s32 $0x10, s1;
	(pc) =	sbr.rel @p0 .LBB2_66-.Ltmp32, $2  }
0x16c: {  	_ =	sdelay $0x2  }
0x16d: {  	s5 =	sadd.s32 $0x80, s5;
	s6 =	sadd.s32 s6, s24  }
0x16e: {  	[hbm4b:s6+s2] =	stream.linear.scatter [tilespmem:s0], [sflag:$0x5], $0x40, $0x38;
	[tilespmem:$0x1F400] =	vst v63  }
0x16f: {  	_ =	swait.ge [sflag:s26], $0xC80  }
0x170: {  	s1 =	rddreg [dreg:$0x8]  }
0x171: {  	s31 =	rddreg [dreg:$0x7];
	s1 =	sadd.s32 $0x1, s1  }
0x172: {  	p0 =	sne.s32 s1, s31  }
.Ltmp33:
0x173: {  	_ = 	snop;
	(pc) =	sbr.rel @p0 .LBB2_1-.Ltmp33, $3  }
0x174: {  	_ =	sdelay $0x1  }
0x175: {  	[sflag:s26] =	ssyncset.done $0x0  }
0x176: {  	[sflag:s26] =	ssyncadd.s32 $0xFFFFF380  }
0x177: {  	_ =	sfence.sel $0x180000  }
0x178: {  	[bflag:$0x0] =	sbarrier.arrive $0xFFFF  }
0x179: {  	_ =	strace $0x90000047  }
0x17a: {  	s0 =	stileid.u32;
	[bflag:$0x2] =	sbarrier.arrive $0xFFFF  }
0x17b: {  	p0 =	sne.s32 s0, $0x0;
	s0 =	rddreg [dreg:$0x2]  }
0x17c: {  	s0 =	sadd.s32 @!p0 $0x100000, s0  }
0x17d: {  	[sflag:s0] =	ssyncadd.tile.s32 @!p0 $0x1;
	_ =	shalt  }
.Lfunc_end2:
_tile_overlayer_lowered:
.L_overlay_start_2:
0x17e: {  	(tag) =	ssettag $0x2  }
0x17f: {  	s0 =	rddreg [dreg:$0x0];
	s2 =	stileid.u32  }
0x180: {  	s1 =	rddreg [dreg:$0x1];
	p0 =	sne.s32 s2, $0x0  }
0x181: {  	s3 =	rddreg [dreg:$0x2];
	[bflag:$0x3] =	sbarrier.arrive $0xFFFF;
	s2 =	simm.s32 @!p0 $0x1C05  }
0x182: {  	[timem:s3], [sflag:s2] =	dma.local @!p0 [hbm:s0], s1  }
0x183: {  	s0 =	simm.s32 @!p0 $0x5  }
0x184: {  	_ =	swait.ge @!p0 [sflag:s0], s1  }
0x185: {  	s1 =	ssub.s32 @!p0 $0x0, s1;
	[sflag:s0] =	ssyncset.done @!p0 $0x0  }
0x186: {  	[sflag:s0] =	ssyncadd.s32 @!p0 s1  }
0x187: {  	[bflag:$0x3] =	sbarrier.arrive $0xFFFF  }
0x188: {  	_ =	shalt  }

// kernel: sparse-core-data-format-call.cloned.1.call-start
scs
called_computation_lowered:
.L_overlay_start_0:
0x0: {  	s2 =	sld [smem:$0x3FD9]  }
0x1: {  	s3 =	sld [smem:$0x3FFE];
	_ =	sdelay $0x1  }
0x2: {  	s1 =	srdreg.scid  }
0x3: {  	s0 =	sand.u32 $0x1, s1  }
0x4: {  	s18 =	sshll.u32 s0, $0xA;
	s2 =	sadd.s32 s3, s2  }
0x5: {  	s2 =	sadd.s32 s2, s18  }
0x6: {  	[smem:$0x3FC6] =	sst s2  }
0x7: {  	_ = 	snop  }
0x8: {  	s2 =	sld [smem:$0x3FD0];
	(tm) =	ssettm $0x1  }
0x9: {  	s19 =	sld [smem:$0x3FFB];
	_ =	sdelay $0x3  }
0xa: {  	_ =	strace s19  }
0xb: {  	s3 =	sld [smem:$0x3FFC];
	_ =	sdelay $0x3  }
0xc: {  	_ =	strace s3  }
0xd: {  	s3 =	sld [smem:$0x3FFD];
	_ =	sdelay $0x3  }
0xe: {  	_ =	strace s3  }
0xf: {  	_ =	strace $0x8FFFFFFF  }
0x10: {  	s20 =	sld [smem:$0x3FDB];
	_ =	sdelay $0x1  }
0x11: {  	s4 =	simm.s32 $_scs_section_size  }
0x12: {  	s5 =	simm.s32 $_size__tile_overlayer_lowered;
	s6 =	simm.s32 $_tile_overlayer_lowered  }
0x13: {  	s23 =	simm.s32 $0x1BFF;
	s22 =	sshll.u32 s6, $0x1;
	s3 =	sadd.s32 s4, s20  }
0x14: {  	s7 =	simm.s32 $0x0;
	s21 =	sshll.u32 s5, $0x1;
	s5 =	sadd.s32 s22, s3  }
0x15: {  	[timem:s7], [sflag:s23] =	dma.local [hbm:s5], s21  }
0x16: {  	_ =	swait.ge [sflag:s23], s21  }
0x17: {  	s4 =	ssub.s32 $0x0, s21;
	[sflag:s23] =	ssyncset.done $0x0  }
0x18: {  	[sflag:s23] =	ssyncadd.s32 s4;
	_ =	sdelay $0x1  }
0x19: {  	s24 =	simm.s32 $0x1B8B  }
0x1a: {  	_ =	swait.ge [sflag:s24], $0x1  }
0x1b: {  	[sflag:s24] =	ssyncset.done $0x0  }
0x1c: {  	s26 =	simm.s32 $0x1B8E;
	s25 =	sld [smem:$0x3FFE];
	[sflag:s24] =	ssyncadd.s32 $0xFFFFFFFF  }
0x1d: {  	s27 =	simm.s32 $execute0_lowered;
	[smem:$0x3FD2] =	sst s26  }
0x1e: {  	s5 =	sshll.u32 s27, $0x1;
	_ =	strace $0x80000049;
	[dreg:$0x1] =	wrdreg $0xFFFFFFFF  }
0x1f: {  	s28 =	simm.s32 $_size_execute0_lowered;
	s3 =	sadd.s32 s3, s5;
	[dreg:$0x0] =	wrdreg $0x0  }
0x20: {  	s5 =	sshll.u32 s28, $0x1;
	[dreg:$0x2] =	wrdreg s3  }
0x21: {  	[dreg:$0x3] =	wrdreg s5  }
0x22: {  	[dreg:$0x4] =	wrdreg $0xC0  }
0x23: {  	_ =	task [dreg:s7], $0x5FFFF  }
0x24: {  	[dreg:$0x1] =	wrdreg $0xFFFFFFFF  }
0x25: {  	[dreg:$0x0] =	wrdreg $0x60  }
0x26: {  	[dreg:$0x2] =	wrdreg s25  }
0x27: {  	[dreg:$0x3] =	wrdreg s2  }
0x28: {  	[dreg:$0x4] =	wrdreg $0x9  }
0x29: {  	_ =	task.clear_ibuf [dreg:s7], $0x5FFFF;
	_ =	strace $0x90000049  }
0x2a: {  	s29 =	simm.s32 $0x9;
	_ =	strace $0x8000004B  }
0x2b: {  	_ =	swait.ge [sflag:s29], $0x1  }
0x2c: {  	[sflag:s29] =	ssyncadd.s32 $0xFFFFFFFF  }
0x2d: {  	_ =	strace $0x9000004B  }
0x2e: {  	_ =	sfence  }
0x2f: {  	s30 =	sld [smem:$0x0];
	_ =	sdelay $0x2  }
0x30: {  	s31 =	sshll.u32 s1, $0xD;
	s1 =	sshrl.u32 s1, $0x2  }
0x31: {  	s3 =	sand.u32 $0x4000, s31;
	s1 =	sadd.s32 s1, s30  }
0x32: {  	s0 =	sor.u32 s3, s0;
	s1 =	sshll.u32 s1, $0x11  }
0x33: {  	s0 =	sor.u32 s1, s0  }
0x34: {  	s0 =	sadd.s32 $0x8F2B, s0  }
0x35: {  	[sflag:s0] =	ssyncadd.remote.s32 $0x1  }
0x36: {  	_ =	sfence.sel $0xFFFF  }
0x37: {  	[dreg:$0x0] =	wrdreg $0xFFFFFFFF;
	(pc) =	sbr.abs _section_cstart, $3  }
0x38: {  	[dreg:$0x1] =	wrdreg $0xFFFFFFFF  }
0x39: {  	_ =	task.clear_ibuf [dreg:s7], $0x2FFFF;
	_ =	strace $0x9FFFFFFF  }
0x3a: {  	(tm) =	ssettm $0x7FFFFFFF  }
0x3b: {  	_ =	shalt  }
tec
execute0_lowered:
.L_overlay_start_1:
0x0: {  	(tag) =	ssettag $0x1  }
0x1: {  	s0 =	srdreg.scid  }
0x2: {  	s1 =	sshll.u32 s0, $0x4  }
0x3: {  	s0 =	stileid.u32;
	s1 =	sand.u32 $0x10, s1  }
0x4: {  	s1 =	sor.u32 s0, s1  }
0x5: {  	s6 =	rddreg [dreg:$0x0];
	s4 =	simm.s32 $0x1;
	s2 =	sshll.u32 s1, $0x7  }
0x6: {  	s7 =	simm.s32 $0x2;
	s12 =	simm.s32 $0x0;
	s1 =	ssub.s32 $0x4000, s2  }
0x7: {  	s8 =	simm.s32 $0x20000;
	s13 =	simm.s32 $0x0;
	s3 =	sand.u32 $0xF80, s1  }
0x8: {  	s9 =	simm.s32 $0x0;
	s5 =	sshrl.u32 s1, $0xC;
	p0 =	sne.s32 s3, $0x0  }
.Ltmp0:
0x9: {  	s1 =	rddreg [dreg:$0x2];
	s4 =	simm.s32 @!p0 $0x0;
	(pc) =	sbr.rel .LBB1_1-.Ltmp0, $4  }
0xa: {  	s11 =	simm.s32 $0x0;
	s3 =	rddreg [dreg:$0x1];
	s5 =	sadd.s32 s4, s5  }
0xb: {  	_ =	strace $0x8000004A;
	s4 =	simm.s32 $0x1;
	s5 =	smul.u32 $0x32, s5  }
0xc: {  	s6 =	sadd.s32 $0xA00, s6;
	s10 =	smov.u32 s2;
	[sflag:s4] =	ssyncpa.u1 $0x0  }
0xd: {  	p0 =	por $0x0, $0x0;
	[sflag:s7] =	ssyncpa.u1 $0x0;
	s7 =	sor.u32 $0x1, s5  }
.LBB1_4:
0xe: {  	s16 =	sshll.u32 s13, $0x3;
	s17 =	sand.u32 $0x78, s13  }
0xf: {  	s30 =	sand.u32 $0x1F800, s13;
	s12 =	sshll.u32 s12, $0x11;
	s16 =	sand.u32 $0x3C00, s16  }
0x10: {  	[tilespmem:s15+$0x810 ss:$0x81] =	vst.msk $0xffff, v2;
	s31 =	sand.u32 $0x7, s13;
	s16 =	sor.u32 s17, s16;
	s17 =	sadd.s32 s3, s30  }
0x11: {  	[tilespmem:s15+$0x1020 ss:$0x81] =	vst.msk $0xffff, v0;
	s13 =	sshll.u32 s31, $0x12;
	s12 =	sadd.s32 s12, s17;
	s16 =	sshrl.u32 s16, $0x3  }
0x12: {  	[tilespmem:s15+$0x0 ss:$0x81] =	vst.msk $0xffff, v1;
	s13 =	sor.u32 $0x400, s13;
	s12 =	sadd.s32 s16, s12  }
0x13: {  	[hbm4b:s12+s13] =	stream.strided.scatter [tilespmem:s14], [sflag:$0x2], $0x2000, s8, s13, $0x20;
	[tilespmem:$0x8080] =	vst v63  }
.LBB1_5:
0x14: {  	s14 =	sadd.s32 $0x1, s9  }
0x15: {  	s12 =	sadd.s32 $0x1000, s10;
	s16 =	smov.u32 s10;
	p2 =	sgt.s32 s14, $0x31  }
0x16: {  	s16 =	smov.u32 @p2 s12  }
0x17: {  	s14 =	simm.s32 @p2 $0x0;
	p2 =	sgt.s32 s16, $0x3FFF  }
0x18: {  	s16 =	smov.u32 @p2 s2;
	p2 =	sne.s32 s11, s7  }
.Ltmp1:
0x19: {  	p1 =	slt.u32 s11, $0x2;
	(pc) =	sbr.rel @!p2 .LBB1_6-.Ltmp1, $4  }
0x1a: {  	s15 =	simm.s32 @!p1 $0x2  }
0x1b: {  	s13 =	smov.u32 s10;
	p0 =	por !p0, !p0;
	_ =	swait.ge @!p1 [sflag:s15], $0x2000  }
0x1c: {  	s12 =	smov.u32 s9;
	[sflag:s15] =	ssyncset.done @!p1 $0x0;
	s9 =	smov.u32 s14  }
0x1d: {  	s11 =	sadd.s32 $0x1, s11;
	[sflag:s15] =	ssyncadd.s32 @!p1 $0xFFFFE000;
	s10 =	smov.u32 s16  }
.LBB1_1:
0x1e: {  	p1 =	sge.u32 s11, s5  }
0x1f: {  	s14 =	sand.u32 @!p1 $0x1FFFFFF, s9  }
0x20: {  	s15 =	smulhi.u32 @!p1 $0x4924925, s14;
	_ =	sdelay $0x1  }
0x21: {  	s15 =	smul.u32 @!p1 $0x38, s15  }
0x22: {  	s16 =	sxor.u32 @!p1 $0xFFFFFFFF, s11;
	s17 =	smul.u32 @!p1 $0x380, s10  }
0x23: {  	s31 =	sadd.s32 $0xFFFFFFFF, s11;
	s16 =	sshll.u32 @!p1 s16, $0xD;
	s14 =	ssub.s32 @!p1 s14, s15  }
0x24: {  	s15 =	sand.u32 @!p1 $0x2000, s16;
	s16 =	sadd.s32 @!p1 s6, s17;
	s14 =	sshll.u32 @!p1 s14, $0x4  }
0x25: {  	s17 =	simm.s32 @!p1 $0x1C00;
	s14 =	sadd.s32 @!p1 s14, s16;
	s16 =	simm.s32 @!p1 $0x40  }
0x26: {  	[tilespmem:s15], [sflag:$0x1] =	stream.strided.gather @!p1 [hbm4b:s14+s16], $0x2000, s17, s16, $0x38;
	[tilespmem:$0x8080] =	vst v63  }
0x27: {  	p1 =	sge.u32 s31, s5  }
.Ltmp2:
0x28: {  	_ = 	snop;
	(pc) =	sbr.rel @p1 .LBB1_5-.Ltmp2, $1  }
0x29: {  	_ =	sdelay $0x3  }
0x2a: {  	s14 =	simm.s32 $0x1  }
0x2b: {  	_ =	swait.ge [sflag:s4], $0x2000;
	s14 =	simm.s32 @!p0 $0x0  }
0x2c: {  	[sflag:s4] =	ssyncset.done $0x0;
	s15 =	sshll.u32 s14, $0xD  }
0x2d: {  	[sflag:s4] =	ssyncadd.s32 $0xFFFFE000;
	s18 =	sor.u32 $0x20, s15  }
0x2e: {  	s14 =	smul.u32 $0x8100, s14;
	v3 =	vld [tilespmem:s18+$0x10]  }
0x2f: {  	s30 =	sand.u32 $0x1, s11;
	v2 =	vld [tilespmem:s18+$0xFFFFFFF0]  }
0x30: {  	s15 =	smul.u32 $0x8100, s30;
	s14 =	sshrl.u32 s14, $0x2;
	v0 =	vld [tilespmem:s18+$0x0]  }
0x31: {  	v1 =	vld [tilespmem:s18+$0xFFFFFFE0];
	s16 =	sor.u32 $0x4000, s14  }
0x32: {  	s31 =	sshrl.u32 s15, $0x2;
	s15 =	sadd.s32 $0x0, s16  }
0x33: {  	s17 =	simm.s32 $0x4;
	s18 =	sadd.s32 $0x40, s18;
	s14 =	sor.u32 $0x4000, s31;
	[tilespmem:s15+$0x1830 ss:$0x81] =	vst.msk $0xffff, v3  }
.LBB1_3:
0x34: {  	v3 =	vld [tilespmem:s18+$0x10];
	p1 =	sne.s32 s17, $0x1FC;
	[tilespmem:s15+$0x810 ss:$0x81] =	vst.msk $0xffff, v2;
	s19 =	smov.u32 s17;
	s17 =	sadd.s32 $0x4, s17  }
.Ltmp3:
0x35: {  	v2 =	vld [tilespmem:s18+$0xFFFFFFF0];
	[tilespmem:s15+$0x1020 ss:$0x81] =	vst.msk $0xffff, v0;
	(pc) =	sbr.rel @p1 .LBB1_3-.Ltmp3, $4  }
0x36: {  	v0 =	vld [tilespmem:s18+$0x0];
	[tilespmem:s15+$0x0 ss:$0x81] =	vst.msk $0xffff, v1  }
0x37: {  	s15 =	sshra.s32 s19, $0x2;
	v1 =	vld [tilespmem:s18+$0xFFFFFFE0]  }
0x38: {  	s15 =	sadd.s32 s15, s16  }
0x39: {  	s18 =	sadd.s32 $0x40, s18;
	[tilespmem:s15+$0x1830 ss:$0x81] =	vst.msk $0xffff, v3  }
.Ltmp4:
0x3a: {  	_ = 	snop;
	(pc) =	sbr.rel .LBB1_4-.Ltmp4, $1  }
0x3b: {  	_ =	sdelay $0x3  }
.LBB1_6:
0x3c: {  	_ =	sfence.sel $0x180000  }
0x3d: {  	s2 =	simm.s32 $0x1;
	[bflag:$0x0] =	sbarrier.arrive $0xFFFF  }
0x3e: {  	s31 =	simm.s32 $0x2;
	[sflag:s2] =	ssyncpa.u1 $0x1  }
0x3f: {  	[sflag:s31] =	ssyncpa.u1 $0x1  }
0x40: {  	p0 =	sne.s32 s0, $0x0;
	_ =	strace $0x9000004A  }
0x41: {  	s0 =	sadd.s32 @!p0 $0x100000, s1;
	[bflag:$0x2] =	sbarrier.arrive $0xFFFF  }
0x42: {  	[sflag:s0] =	ssyncadd.tile.s32 @!p0 $0x1;
	_ =	shalt  }
.Lfunc_end1:
_tile_overlayer_lowered:
.L_overlay_start_2:
0x43: {  	(tag) =	ssettag $0x2  }
0x44: {  	s0 =	rddreg [dreg:$0x0];
	s2 =	stileid.u32  }
0x45: {  	s1 =	rddreg [dreg:$0x1];
	p0 =	sne.s32 s2, $0x0  }
0x46: {  	s3 =	rddreg [dreg:$0x2];
	[bflag:$0x3] =	sbarrier.arrive $0xFFFF;
	s2 =	simm.s32 @!p0 $0x1C01  }
0x47: {  	[timem:s3], [sflag:s2] =	dma.local @!p0 [hbm:s0], s1  }
0x48: {  	s0 =	simm.s32 @!p0 $0x1  }
0x49: {  	_ =	swait.ge @!p0 [sflag:s0], s1  }
0x4a: {  	s1 =	ssub.s32 @!p0 $0x0, s1;
	[sflag:s0] =	ssyncset.done @!p0 $0x0  }
0x4b: {  	[sflag:s0] =	ssyncadd.s32 @!p0 s1  }
0x4c: {  	[bflag:$0x3] =	sbarrier.arrive $0xFFFF  }
0x4d: {  	_ =	shalt  }

</sc_bundles>
